<compile_context>
chip_gen: v7x
topology: tpu7x:2x2x1
jax: 0.10.2.dev20260603
libtpu: 0.0.44.dev20260713+nightly
codegen_flags: <defaults>
</compile_context>

<pallas_src>
import functools

import jax
import jax.numpy as jnp
from jax import lax
from jax.experimental import pallas as pl
from jax.experimental.pallas import tpu as pltpu
from jax.experimental.pallas import tpu_sc as plsc

N = 10000
E = 320000
D = 128
HD = D // 2
NP = 10240
NC = 2
NS = 16
LANE = 128
RT = 80
IB = 8
RPAD = NC * NS * RT
EPAD = RPAD * LANE
DUMP = N + 128
TROWS = NP // NS


@functools.cache
def _mesh():
    return plsc.VectorSubcoreMesh(core_axis_name="c", subcore_axis_name="s",
                                  num_cores=NC, num_subcores=NS)


def _pack_bf16(xp):
    u = jax.lax.bitcast_convert_type(xp.astype(jnp.bfloat16), jnp.uint16)
    w = u[:, :HD].astype(jnp.uint32) | (u[:, HD:].astype(jnp.uint32) << 16)
    return jax.lax.bitcast_convert_type(w, jnp.float32)


def _sc_agg(xpk, src_rows, dst_rows, zacc, zcnt=None, ones=None,
            with_counts=False):
    out_type = [jax.ShapeDtypeStruct((NC, NP, D), jnp.float32)]
    scratch = [
        pltpu.VMEM((IB, LANE), jnp.int32),
        pltpu.VMEM((IB, LANE), jnp.int32),
        pltpu.VMEM((LANE, HD), jnp.float32),
        pltpu.VMEM((LANE, HD), jnp.float32),
        pltpu.VMEM((LANE, D), jnp.float32),
        pltpu.VMEM_SHARED((NP, D), jnp.float32),
        pltpu.SemaphoreType.DMA,
        pltpu.SemaphoreType.DMA,
    ]
    if with_counts:
        out_type.append(jax.ShapeDtypeStruct((NC, NP, 16), jnp.float32))
        scratch += [
            pltpu.VMEM((LANE, 16), jnp.float32),
            pltpu.VMEM_SHARED((NP, 16), jnp.float32),
        ]

    @functools.partial(
        pl.kernel,
        out_type=tuple(out_type),
        mesh=_mesh(),
        compiler_params=pltpu.CompilerParams(use_tc_tiling_on_sc=False,
                                             needs_layout_passes=False),
        scratch_types=scratch)
    def k(x_hbm, src_hbm, dst_hbm, za_hbm, zc_hbm, ones_hbm, *refs):
        if with_counts:
            (sums_hbm, cnts_hbm, src_v, dst_v, g0, g1, u, acc_sh,
             sem0, sem1, ones_v, cnt_sh) = refs
        else:
            sums_hbm, src_v, dst_v, g0, g1, u, acc_sh, sem0, sem1 = refs
        c = lax.axis_index("c")
        s = lax.axis_index("s")
        r0 = s * TROWS
        pltpu.sync_copy(za_hbm.at[pl.ds(r0, TROWS)],
                        acc_sh.at[pl.ds(r0, TROWS)])
        if with_counts:
            pltpu.sync_copy(zc_hbm.at[pl.ds(r0, TROWS)],
                            cnt_sh.at[pl.ds(r0, TROWS)])
            pltpu.sync_copy(ones_hbm, ones_v)
        base = (c * NS + s) * RT
        plsc.subcore_barrier()

        mask = jnp.full((16,), 0xFFFF0000, jnp.uint32).astype(jnp.int32)

        def start_gather(j, buf, sem):
            pltpu.async_copy(x_hbm.at[src_v.at[j]], buf, sem)

        def wait_gather(j, buf, sem):
            pltpu.make_async_copy(x_hbm.at[src_v.at[j]], buf, sem).wait()

        def unpack(buf):
            @pl.loop(0, LANE)
            def _(r):
                for kk in range(HD // 16):
                    v = plsc.bitcast(buf[r, pl.ds(16 * kk, 16)], jnp.int32)
                    u[r, pl.ds(16 * kk, 16)] = plsc.bitcast(
                        lax.shift_left(v, 16), jnp.float32)
                    u[r, pl.ds(HD + 16 * kk, 16)] = plsc.bitcast(
                        lax.bitwise_and(v, mask), jnp.float32)

        @pl.loop(0, RT // IB)
        def _(b):
            pltpu.sync_copy(src_hbm.at[pl.ds(base + b * IB, IB)], src_v)
            pltpu.sync_copy(dst_hbm.at[pl.ds(base + b * IB, IB)], dst_v)
            start_gather(0, g0, sem0)

            @pl.loop(0, IB - 1)
            def _(j):
                even = j % 2 == 0

                @pl.when(even)
                def _():
                    start_gather(j + 1, g1, sem1)
                    wait_gather(j, g0, sem0)
                    unpack(g0)
                    pltpu.sync_copy(u, acc_sh.at[dst_v.at[j]], add=True)

                @pl.when(jnp.logical_not(even))
                def _():
                    start_gather(j + 1, g0, sem0)
                    wait_gather(j, g1, sem1)
                    unpack(g1)
                    pltpu.sync_copy(u, acc_sh.at[dst_v.at[j]], add=True)

                if with_counts:
                    pltpu.sync_copy(ones_v, cnt_sh.at[dst_v.at[j]], add=True)

            last = IB - 1
            wait_gather(last, g1, sem1)
            unpack(g1)
            pltpu.sync_copy(u, acc_sh.at[dst_v.at[last]], add=True)
            if with_counts:
                pltpu.sync_copy(ones_v, cnt_sh.at[dst_v.at[last]], add=True)

        plsc.subcore_barrier()
        pltpu.sync_copy(acc_sh.at[pl.ds(r0, TROWS)],
                        sums_hbm.at[c, pl.ds(r0, TROWS)])
        if with_counts:
            pltpu.sync_copy(cnt_sh.at[pl.ds(r0, TROWS)],
                            cnts_hbm.at[c, pl.ds(r0, TROWS)])

    res = k(xpk, src_rows, dst_rows, zacc,
            zcnt if zcnt is not None else jnp.zeros((8, 16), jnp.float32),
            ones if ones is not None else jnp.zeros((8, 16), jnp.float32))
    if with_counts:
        return res
    return res[0] if isinstance(res, (tuple, list)) else res


_BM = 512


def _mm_body(x_ref, w_ref, o_ref):
    o_ref[...] = lax.dot_general(
        x_ref[...], w_ref[...], (((1,), (0,)), ((), ())),
        preferred_element_type=jnp.float32,
        precision=lax.Precision.HIGHEST)


def _tc_matmul(xp, wt):
    return pl.pallas_call(
        _mm_body,
        grid=(NP // _BM,),
        in_specs=[pl.BlockSpec((_BM, D), lambda i: (i, 0)),
                  pl.BlockSpec((D, D), lambda i: (0, 0))],
        out_specs=pl.BlockSpec((_BM, D), lambda i: (i, 0)),
        out_shape=jax.ShapeDtypeStruct((NP, D), jnp.float32),
    )(xp, wt)


def _combine_body(relu, s_ref, c_ref, xr_ref, wt_ref, b_ref, o_ref):
    cnt = jnp.maximum(c_ref[0, :, 0:1] + c_ref[1, :, 0:1], 1.0)
    mean = (s_ref[0] + s_ref[1]) / cnt
    y = lax.dot_general(mean, wt_ref[...], (((1,), (0,)), ((), ())),
                        preferred_element_type=jnp.float32,
                        precision=lax.Precision.HIGHEST)
    y = y + xr_ref[...] + b_ref[...]
    o_ref[...] = jnp.maximum(y, 0.0) if relu else y


def _tc_combine(sums, cnts, xr, wt, b, relu):
    return pl.pallas_call(
        functools.partial(_combine_body, relu),
        grid=(NP // _BM,),
        in_specs=[pl.BlockSpec((NC, _BM, D), lambda i: (0, i, 0)),
                  pl.BlockSpec((NC, _BM, 16), lambda i: (0, i, 0)),
                  pl.BlockSpec((_BM, D), lambda i: (i, 0)),
                  pl.BlockSpec((D, D), lambda i: (0, 0)),
                  pl.BlockSpec((1, D), lambda i: (0, 0))],
        out_specs=pl.BlockSpec((_BM, D), lambda i: (i, 0)),
        out_shape=jax.ShapeDtypeStruct((NP, D), jnp.float32),
    )(sums, cnts, xr, wt, b)


def kernel(x, edge_index, Wl1, bl1, Wr1, Wl2, bl2, Wr2):
    src = edge_index[0].astype(jnp.int32)
    dst = edge_index[1].astype(jnp.int32)
    pad = EPAD - E
    src_rows = jnp.concatenate(
        [src, jnp.zeros((pad,), jnp.int32)]).reshape(RPAD, LANE)
    dst_rows = jnp.concatenate(
        [dst, jnp.full((pad,), DUMP, jnp.int32)]).reshape(RPAD, LANE)
    xp = jnp.pad(x, ((0, NP - N), (0, 0)))
    zacc = jnp.zeros((NP, D), jnp.float32)
    zcnt = jnp.zeros((NP, 16), jnp.float32)

    s1, c1 = _sc_agg(_pack_bf16(xp), src_rows, dst_rows, zacc, zcnt,
                     jnp.ones((LANE, 16), jnp.float32), with_counts=True)
    xr1 = _tc_matmul(xp, Wr1.T)
    h = _tc_combine(s1, c1, xr1, Wl1.T, bl1.reshape(1, D), relu=True)

    s2 = _sc_agg(_pack_bf16(h), src_rows, dst_rows, zacc)
    xr2 = _tc_matmul(h, Wr2.T)
    out = _tc_combine(s2, c1, xr2, Wl2.T, bl2.reshape(1, D), relu=False)
    return out[:N]

# --- scband reference (transcript-rebuilt; emitter-appended) ---
"""Pipeline reference for scband-graph-sage-87144886436073 (READ-ONLY COPY).

The authoritative reference and input builder live on the scoring server;
editing this copy changes nothing except your own understanding.
"""

import jax, jax.numpy as jnp
import numpy as np

N_NODES = 10000
N_EDGES = 320000
D = 128


def setup_inputs(seed: int = 0) -> dict:
    key = jax.random.key(seed)
    ks = jax.random.split(key, 10)
    x = jax.random.normal(ks[0], (N_NODES, D), dtype=jnp.float32)
    edge_index = jax.random.randint(ks[1], (2, N_EDGES), 0, N_NODES, dtype=jnp.int64)
    s = 1.0 / np.sqrt(D)
    Wl1 = jax.random.uniform(ks[2], (D, D), dtype=jnp.float32, minval=-s, maxval=s)
    bl1 = jax.random.uniform(ks[3], (D,), dtype=jnp.float32, minval=-s, maxval=s)
    Wr1 = jax.random.uniform(ks[4], (D, D), dtype=jnp.float32, minval=-s, maxval=s)
    Wl2 = jax.random.uniform(ks[5], (D, D), dtype=jnp.float32, minval=-s, maxval=s)
    bl2 = jax.random.uniform(ks[6], (D,), dtype=jnp.float32, minval=-s, maxval=s)
    Wr2 = jax.random.uniform(ks[7], (D, D), dtype=jnp.float32, minval=-s, maxval=s)
    return {"x": x, "edge_index": edge_index, "Wl1": Wl1, "bl1": bl1, "Wr1": Wr1, "Wl2": Wl2, "bl2": bl2, "Wr2": Wr2}


def _sage_conv(x, src, dst, Wl, bl, Wr):
    # PyG SAGEConv with mean aggregation:
    # out = lin_l(mean_{j in N(i)} x_j) + lin_r(x_i)
    msg = jnp.take(x, src, axis=0)  # gather source node features [E, D]
    summed = jax.ops.segment_sum(msg, dst, num_segments=N_NODES)
    count = jax.ops.segment_sum(jnp.ones((msg.shape[0],), dtype=x.dtype), dst, num_segments=N_NODES)
    mean = summed / jnp.clip(count, 1.0, None)[:, None]
    return mean @ Wl.T + bl + x @ Wr.T


def reference(x, edge_index, Wl1, bl1, Wr1, Wl2, bl2, Wr2):
    src = edge_index[0]
    dst = edge_index[1]
    h = _sage_conv(x, src, dst, Wl1, bl1, Wr1)
    h = jax.nn.relu(h)
    # dropout p=0.0 -> identity
    h = _sage_conv(h, src, dst, Wl2, bl2, Wr2)
    # batch is None -> no pooling
    return h

if __name__ == "__main__":
    import jax
    _d = setup_inputs()
    print(jax.jit(kernel)(*tuple(_d.values())))

</pallas_src>

<mosaic_0001>
#map = affine_map<(d0, d1) -> (0, 0)>
#map1 = affine_map<(d0, d1) -> (0, 0, 0)>
module attributes {stable_mosaic.version = 14 : i64} {
  func.func @k(%arg0: i32, %arg1: i32, %arg2: memref<10240x64xf32, #tpu.memory_space<hbm>>, %arg3: memref<2560x128xi32, #tpu.memory_space<hbm>>, %arg4: memref<2560x128xi32, #tpu.memory_space<hbm>>, %arg5: memref<10240x128xf32, #tpu.memory_space<hbm>>, %arg6: memref<8x16xf32, #tpu.memory_space<hbm>>, %arg7: memref<8x16xf32, #tpu.memory_space<hbm>>, %arg8: memref<2x10240x128xf32, #tpu.memory_space<hbm>>, %arg9: memref<8x128xi32, #tpu.memory_space<vmem>>, %arg10: memref<8x128xi32, #tpu.memory_space<vmem>>, %arg11: memref<128x64xf32, #tpu.memory_space<vmem>>, %arg12: memref<128x64xf32, #tpu.memory_space<vmem>>, %arg13: memref<128x128xf32, #tpu.memory_space<vmem>>, %arg14: memref<10240x128xf32, #tpu.memory_space<vmem_shared>>, %arg15: memref<!tpu.dma_semaphore, #tpu.memory_space<semaphore_mem>>, %arg16: memref<!tpu.dma_semaphore, #tpu.memory_space<semaphore_mem>>) attributes {dimension_semantics = [#tpu.dimension_semantics<core_parallel>, #tpu.dimension_semantics<subcore_parallel>], iteration_bounds = array<i64: 2, 16>, scalar_prefetch = 0 : i64, scratch_operands = 8 : i64, tpu.core_type = #tpu.core_type<sc_vector_subcore>, window_params = [{transform_indices = #map}, {transform_indices = #map}, {transform_indices = #map}, {transform_indices = #map}, {transform_indices = #map}, {transform_indices = #map}, {transform_indices = #map1}]} {
    %mul3A = arith.constant 640 : i32
    %mul3A_0 = arith.muli %arg1, %mul3A : i32
    "tpu.region"() ({
      %run_scoped3A = tpu.sem_alloc : memref<!tpu.dma_semaphore, #tpu.memory_space<semaphore_mem>>
      %dma_start3A = arith.constant 0 : i32
      %dma_start3A_11 = tpu.memref_slice %arg14[%mul3A_0, %dma_start3A] : memref<10240x128xf32, #tpu.memory_space<vmem_shared>> -> memref<640x128xf32, #tpu.memory_space<vmem_shared>>
      %dma_start3A_12 = arith.constant 0 : i32
      %dma_start3A_13 = tpu.memref_slice %arg5[%mul3A_0, %dma_start3A_12] : memref<10240x128xf32, #tpu.memory_space<hbm>> -> memref<640x128xf32, #tpu.memory_space<hbm>>
      tpu.enqueue_dma source(%dma_start3A_13 : memref<640x128xf32, #tpu.memory_space<hbm>>) target(%dma_start3A_11 : memref<640x128xf32, #tpu.memory_space<vmem_shared>>) target_semaphore(%run_scoped3A : memref<!tpu.dma_semaphore, #tpu.memory_space<semaphore_mem>>)
      %dma_wait3A = arith.constant 0 : i32
      %dma_wait3A_14 = tpu.memref_slice %arg14[%mul3A_0, %dma_wait3A] : memref<10240x128xf32, #tpu.memory_space<vmem_shared>> -> memref<640x128xf32, #tpu.memory_space<vmem_shared>>
      %dma_wait3A_15 = arith.constant 0 : i32
      %dma_wait3A_16 = tpu.memref_slice %arg5[%mul3A_0, %dma_wait3A_15] : memref<10240x128xf32, #tpu.memory_space<hbm>> -> memref<640x128xf32, #tpu.memory_space<hbm>>
      tpu.wait_dma2 semaphore(%run_scoped3A : memref<!tpu.dma_semaphore, #tpu.memory_space<semaphore_mem>>) src(%dma_wait3A_16 : memref<640x128xf32, #tpu.memory_space<hbm>>) dst(%dma_wait3A_14 : memref<640x128xf32, #tpu.memory_space<vmem_shared>>)
      tpu.yield
    }) : () -> ()
    %mul3A_1 = arith.constant 16 : i32
    %mul3A_2 = arith.muli %arg0, %mul3A_1 : i32
    %add3A = arith.addi %mul3A_2, %arg1 : i32
    %mul3A_3 = arith.constant 80 : i32
    %mul3A_4 = arith.muli %add3A, %mul3A_3 : i32
    %barrier3A = arith.constant 0 : index
    tpu.barrier barrier_id(%barrier3A)
    %broadcast_in_dim3A = arith.constant -65536 : i32
    %broadcast_in_dim3A_5 = vector.broadcast %broadcast_in_dim3A : i32 to vector<16xi32>
    %scan3A = arith.constant 0 : i32
    %scan3A_6 = arith.constant 10 : i32
    %scan3A_7 = arith.addi %scan3A, %scan3A_6 : i32
    %scan3A_8 = arith.constant 1 : i32
    scf.for %scan3A_11 = %scan3A to %scan3A_7 step %scan3A_8  : i32 {
      %mul3A_12 = arith.constant 1 : i32
      %mul3A_13 = arith.muli %scan3A_11, %mul3A_12 : i32
      %add3A_14 = arith.constant 0 : i32
      %add3A_15 = arith.addi %add3A_14, %mul3A_13 : i32
      %mul3A_16 = arith.constant 8 : i32
      %mul3A_17 = arith.muli %add3A_15, %mul3A_16 : i32
      %add3A_18 = arith.addi %mul3A_4, %mul3A_17 : i32
      "tpu.region"() ({
        %run_scoped3A_44 = tpu.sem_alloc : memref<!tpu.dma_semaphore, #tpu.memory_space<semaphore_mem>>
        %dma_start3A_45 = arith.constant 0 : i32
        %dma_start3A_46 = tpu.memref_slice %arg3[%add3A_18, %dma_start3A_45] : memref<2560x128xi32, #tpu.memory_space<hbm>> -> memref<8x128xi32, #tpu.memory_space<hbm>>
        %dma_start3A_47 = arith.constant 0 : i32
        %dma_start3A_48 = tpu.memref_slice %arg3[%add3A_18, %dma_start3A_47] : memref<2560x128xi32, #tpu.memory_space<hbm>> -> memref<8x128xi32, #tpu.memory_space<hbm>>
        tpu.enqueue_dma source(%dma_start3A_48 : memref<8x128xi32, #tpu.memory_space<hbm>>) target(%arg9 : memref<8x128xi32, #tpu.memory_space<vmem>>) target_semaphore(%run_scoped3A_44 : memref<!tpu.dma_semaphore, #tpu.memory_space<semaphore_mem>>)
        %dma_wait3A_49 = arith.constant 0 : i32
        %dma_wait3A_50 = tpu.memref_slice %arg3[%add3A_18, %dma_wait3A_49] : memref<2560x128xi32, #tpu.memory_space<hbm>> -> memref<8x128xi32, #tpu.memory_space<hbm>>
        %dma_wait3A_51 = arith.constant 0 : i32
        %dma_wait3A_52 = tpu.memref_slice %arg3[%add3A_18, %dma_wait3A_51] : memref<2560x128xi32, #tpu.memory_space<hbm>> -> memref<8x128xi32, #tpu.memory_space<hbm>>
        tpu.wait_dma2 semaphore(%run_scoped3A_44 : memref<!tpu.dma_semaphore, #tpu.memory_space<semaphore_mem>>) src(%dma_wait3A_52 : memref<8x128xi32, #tpu.memory_space<hbm>>) dst(%arg9 : memref<8x128xi32, #tpu.memory_space<vmem>>)
        tpu.yield
      }) : () -> ()
      %mul3A_19 = arith.constant 8 : i32
      %mul3A_20 = arith.muli %add3A_15, %mul3A_19 : i32
      %add3A_21 = arith.addi %mul3A_4, %mul3A_20 : i32
      "tpu.region"() ({
        %run_scoped3A_44 = tpu.sem_alloc : memref<!tpu.dma_semaphore, #tpu.memory_space<semaphore_mem>>
        %dma_start3A_45 = arith.constant 0 : i32
        %dma_start3A_46 = tpu.memref_slice %arg4[%add3A_21, %dma_start3A_45] : memref<2560x128xi32, #tpu.memory_space<hbm>> -> memref<8x128xi32, #tpu.memory_space<hbm>>
        %dma_start3A_47 = arith.constant 0 : i32
        %dma_start3A_48 = tpu.memref_slice %arg4[%add3A_21, %dma_start3A_47] : memref<2560x128xi32, #tpu.memory_space<hbm>> -> memref<8x128xi32, #tpu.memory_space<hbm>>
        tpu.enqueue_dma source(%dma_start3A_48 : memref<8x128xi32, #tpu.memory_space<hbm>>) target(%arg10 : memref<8x128xi32, #tpu.memory_space<vmem>>) target_semaphore(%run_scoped3A_44 : memref<!tpu.dma_semaphore, #tpu.memory_space<semaphore_mem>>)
        %dma_wait3A_49 = arith.constant 0 : i32
        %dma_wait3A_50 = tpu.memref_slice %arg4[%add3A_21, %dma_wait3A_49] : memref<2560x128xi32, #tpu.memory_space<hbm>> -> memref<8x128xi32, #tpu.memory_space<hbm>>
        %dma_wait3A_51 = arith.constant 0 : i32
        %dma_wait3A_52 = tpu.memref_slice %arg4[%add3A_21, %dma_wait3A_51] : memref<2560x128xi32, #tpu.memory_space<hbm>> -> memref<8x128xi32, #tpu.memory_space<hbm>>
        tpu.wait_dma2 semaphore(%run_scoped3A_44 : memref<!tpu.dma_semaphore, #tpu.memory_space<semaphore_mem>>) src(%dma_wait3A_52 : memref<8x128xi32, #tpu.memory_space<hbm>>) dst(%arg10 : memref<8x128xi32, #tpu.memory_space<vmem>>)
        tpu.yield
      }) : () -> ()
      %dma_start3A = arith.constant 0 : i32
      %dma_start3A_22 = arith.constant 0 : i32
      %dma_start3A_23 = tpu.memref_slice %arg9[%dma_start3A, %dma_start3A_22] : memref<8x128xi32, #tpu.memory_space<vmem>> -> memref<1x128xi32, #tpu.memory_space<vmem>>
      %dma_start3A_24 = tpu.memref_squeeze %dma_start3A_23 : memref<1x128xi32, #tpu.memory_space<vmem>> -> memref<128xi32, #tpu.memory_space<vmem>>
      %dma_start3A_25 = arith.constant 0 : i32
      %dma_start3A_26 = arith.constant 0 : i32
      %dma_start3A_27 = tpu.memref_slice %arg2[%dma_start3A_25, %dma_start3A_26] : memref<10240x64xf32, #tpu.memory_space<hbm>> -> memref<10240x64xf32, #tpu.memory_space<hbm>>
      tpu.enqueue_indirect_dma source(%dma_start3A_27 : memref<10240x64xf32, #tpu.memory_space<hbm>>) target(%arg11 : memref<128x64xf32, #tpu.memory_space<vmem>>) offsets(%dma_start3A_24 : memref<128xi32, #tpu.memory_space<vmem>>) semaphore(%arg15 : memref<!tpu.dma_semaphore, #tpu.memory_space<semaphore_mem>>)
      %scan3A_28 = arith.constant 0 : i32
      %scan3A_29 = arith.constant 7 : i32
      %scan3A_30 = arith.addi %scan3A_28, %scan3A_29 : i32
      %scan3A_31 = arith.constant 1 : i32
      scf.for %scan3A_44 = %scan3A_28 to %scan3A_30 step %scan3A_31  : i32 {
        %mul3A_45 = arith.constant 1 : i32
        %mul3A_46 = arith.muli %scan3A_44, %mul3A_45 : i32
        %add3A_47 = arith.constant 0 : i32
        %add3A_48 = arith.addi %add3A_47, %mul3A_46 : i32
        %jit3A = arith.constant 2 : i32
        %eq3A = arith.constant 0 : i32
        %eq3A_49 = arith.cmpi eq, %jit3A, %eq3A : i32
        %jit3A_50 = arith.constant 1 : i32
        %select_n3A = arith.select %eq3A_49, %jit3A_50, %jit3A : i32
        %rem3A = arith.remsi %add3A_48, %select_n3A : i32
        %ne3A = arith.constant 0 : i32
        %ne3A_51 = arith.cmpi ne, %rem3A, %ne3A : i32
        %lt3A = arith.constant 0 : i32
        %lt3A_52 = arith.cmpi slt, %rem3A, %lt3A : i32
        %lt3A_53 = arith.constant 0 : i32
        %lt3A_54 = arith.cmpi slt, %select_n3A, %lt3A_53 : i32
        %ne3A_55 = arith.xori %lt3A_52, %lt3A_54 : i1
        %and3A = arith.andi %ne3A_55, %ne3A_51 : i1
        %add3A_56 = arith.addi %rem3A, %select_n3A : i32
        %select_n3A_57 = arith.select %and3A, %add3A_56, %rem3A : i32
        %eq3A_58 = arith.constant 0 : i32
        %eq3A_59 = arith.cmpi eq, %select_n3A_57, %eq3A_58 : i32
        %convert_element_type3A = arith.extui %eq3A_59 : i1 to i32
        %cond3A = arith.constant 0 : i32
        %cond3A_60 = arith.cmpi ne, %convert_element_type3A, %cond3A : i32
        scf.if %cond3A_60 {
          %add3A_65 = arith.constant 1 : i32
          %add3A_66 = arith.addi %add3A_48, %add3A_65 : i32
          %dma_start3A_67 = arith.constant 0 : i32
          %dma_start3A_68 = tpu.memref_slice %arg9[%add3A_66, %dma_start3A_67] : memref<8x128xi32, #tpu.memory_space<vmem>> -> memref<1x128xi32, #tpu.memory_space<vmem>>
          %dma_start3A_69 = tpu.memref_squeeze %dma_start3A_68 : memref<1x128xi32, #tpu.memory_space<vmem>> -> memref<128xi32, #tpu.memory_space<vmem>>
          %dma_start3A_70 = arith.constant 0 : i32
          %dma_start3A_71 = arith.constant 0 : i32
          %dma_start3A_72 = tpu.memref_slice %arg2[%dma_start3A_70, %dma_start3A_71] : memref<10240x64xf32, #tpu.memory_space<hbm>> -> memref<10240x64xf32, #tpu.memory_space<hbm>>
          tpu.enqueue_indirect_dma source(%dma_start3A_72 : memref<10240x64xf32, #tpu.memory_space<hbm>>) target(%arg12 : memref<128x64xf32, #tpu.memory_space<vmem>>) offsets(%dma_start3A_69 : memref<128xi32, #tpu.memory_space<vmem>>) semaphore(%arg16 : memref<!tpu.dma_semaphore, #tpu.memory_space<semaphore_mem>>)
          %dma_wait3A_73 = arith.constant 0 : i32
          %dma_wait3A_74 = tpu.memref_slice %arg9[%add3A_48, %dma_wait3A_73] : memref<8x128xi32, #tpu.memory_space<vmem>> -> memref<1x128xi32, #tpu.memory_space<vmem>>
          %dma_wait3A_75 = tpu.memref_squeeze %dma_wait3A_74 : memref<1x128xi32, #tpu.memory_space<vmem>> -> memref<128xi32, #tpu.memory_space<vmem>>
          %dma_wait3A_76 = arith.constant 0 : i32
          %dma_wait3A_77 = arith.constant 0 : i32
          %dma_wait3A_78 = tpu.memref_slice %arg2[%dma_wait3A_76, %dma_wait3A_77] : memref<10240x64xf32, #tpu.memory_space<hbm>> -> memref<10240x64xf32, #tpu.memory_space<hbm>>
          tpu.wait_indirect_dma semaphore(%arg15 : memref<!tpu.dma_semaphore, #tpu.memory_space<semaphore_mem>>) src(%dma_wait3A_78 : memref<10240x64xf32, #tpu.memory_space<hbm>>) dst(%arg11 : memref<128x64xf32, #tpu.memory_space<vmem>>)
          %scan3A_79 = arith.constant 0 : i32
          %scan3A_80 = arith.constant 128 : i32
          %scan3A_81 = arith.addi %scan3A_79, %scan3A_80 : i32
          %scan3A_82 = arith.constant 1 : i32
          scf.for %scan3A_84 = %scan3A_79 to %scan3A_81 step %scan3A_82  : i32 {
            %mul3A_85 = arith.constant 1 : i32
            %mul3A_86 = arith.muli %scan3A_84, %mul3A_85 : i32
            %add3A_87 = arith.constant 0 : i32
            %add3A_88 = arith.addi %add3A_87, %mul3A_86 : i32
            %get3A = arith.index_cast %add3A_88 : i32 to index
            %get3A_89 = arith.constant 0 : index
            %get3A_90 = tpu.vector_load %arg11[%get3A, %get3A_89] {strides = array<i32>} : memref<128x64xf32, #tpu.memory_space<vmem>>, vector<16xf32>,
            %bitcast3A = vector.bitcast %get3A_90 : vector<16xf32> to vector<16xi32>
            %shift_left3A = arith.constant 16 : i32
            %shift_left3A_91 = vector.broadcast %shift_left3A : i32 to vector<16xi32>
            %shift_left3A_92 = arith.shli %bitcast3A, %shift_left3A_91 : vector<16xi32>
            %bitcast3A_93 = vector.bitcast %shift_left3A_92 : vector<16xi32> to vector<16xf32>
            %swap3A = arith.index_cast %add3A_88 : i32 to index
            %swap3A_94 = arith.constant 0 : index
            %swap3A_95 = tpu.vector_load %arg13[%swap3A, %swap3A_94] {strides = array<i32>} : memref<128x128xf32, #tpu.memory_space<vmem>>, vector<16xf32>,
            tpu.vector_store %arg13[%swap3A, %swap3A_94], %bitcast3A_93 {strides = array<i32>} : memref<128x128xf32, #tpu.memory_space<vmem>>, vector<16xf32>,
            %and3A_96 = arith.andi %bitcast3A, %broadcast_in_dim3A_5 : vector<16xi32>
            %bitcast3A_97 = vector.bitcast %and3A_96 : vector<16xi32> to vector<16xf32>
            %swap3A_98 = arith.index_cast %add3A_88 : i32 to index
            %swap3A_99 = arith.constant 64 : index
            %swap3A_100 = tpu.vector_load %arg13[%swap3A_98, %swap3A_99] {strides = array<i32>} : memref<128x128xf32, #tpu.memory_space<vmem>>, vector<16xf32>,
            tpu.vector_store %arg13[%swap3A_98, %swap3A_99], %bitcast3A_97 {strides = array<i32>} : memref<128x128xf32, #tpu.memory_space<vmem>>, vector<16xf32>,
            %get3A_101 = arith.index_cast %add3A_88 : i32 to index
            %get3A_102 = arith.constant 16 : index
            %get3A_103 = tpu.vector_load %arg11[%get3A_101, %get3A_102] {strides = array<i32>} : memref<128x64xf32, #tpu.memory_space<vmem>>, vector<16xf32>,
            %bitcast3A_104 = vector.bitcast %get3A_103 : vector<16xf32> to vector<16xi32>
            %shift_left3A_105 = arith.constant 16 : i32
            %shift_left3A_106 = vector.broadcast %shift_left3A_105 : i32 to vector<16xi32>
            %shift_left3A_107 = arith.shli %bitcast3A_104, %shift_left3A_106 : vector<16xi32>
            %bitcast3A_108 = vector.bitcast %shift_left3A_107 : vector<16xi32> to vector<16xf32>
            %swap3A_109 = arith.index_cast %add3A_88 : i32 to index
            %swap3A_110 = arith.constant 16 : index
            %swap3A_111 = tpu.vector_load %arg13[%swap3A_109, %swap3A_110] {strides = array<i32>} : memref<128x128xf32, #tpu.memory_space<vmem>>, vector<16xf32>,
            tpu.vector_store %arg13[%swap3A_109, %swap3A_110], %bitcast3A_108 {strides = array<i32>} : memref<128x128xf32, #tpu.memory_space<vmem>>, vector<16xf32>,
            %and3A_112 = arith.andi %bitcast3A_104, %broadcast_in_dim3A_5 : vector<16xi32>
            %bitcast3A_113 = vector.bitcast %and3A_112 : vector<16xi32> to vector<16xf32>
            %swap3A_114 = arith.index_cast %add3A_88 : i32 to index
            %swap3A_115 = arith.constant 80 : index
            %swap3A_116 = tpu.vector_load %arg13[%swap3A_114, %swap3A_115] {strides = array<i32>} : memref<128x128xf32, #tpu.memory_space<vmem>>, vector<16xf32>,
            tpu.vector_store %arg13[%swap3A_114, %swap3A_115], %bitcast3A_113 {strides = array<i32>} : memref<128x128xf32, #tpu.memory_space<vmem>>, vector<16xf32>,
            %get3A_117 = arith.index_cast %add3A_88 : i32 to index
            %get3A_118 = arith.constant 32 : index
            %get3A_119 = tpu.vector_load %arg11[%get3A_117, %get3A_118] {strides = array<i32>} : memref<128x64xf32, #tpu.memory_space<vmem>>, vector<16xf32>,
            %bitcast3A_120 = vector.bitcast %get3A_119 : vector<16xf32> to vector<16xi32>
            %shift_left3A_121 = arith.constant 16 : i32
            %shift_left3A_122 = vector.broadcast %shift_left3A_121 : i32 to vector<16xi32>
            %shift_left3A_123 = arith.shli %bitcast3A_120, %shift_left3A_122 : vector<16xi32>
            %bitcast3A_124 = vector.bitcast %shift_left3A_123 : vector<16xi32> to vector<16xf32>
            %swap3A_125 = arith.index_cast %add3A_88 : i32 to index
            %swap3A_126 = arith.constant 32 : index
            %swap3A_127 = tpu.vector_load %arg13[%swap3A_125, %swap3A_126] {strides = array<i32>} : memref<128x128xf32, #tpu.memory_space<vmem>>, vector<16xf32>,
            tpu.vector_store %arg13[%swap3A_125, %swap3A_126], %bitcast3A_124 {strides = array<i32>} : memref<128x128xf32, #tpu.memory_space<vmem>>, vector<16xf32>,
            %and3A_128 = arith.andi %bitcast3A_120, %broadcast_in_dim3A_5 : vector<16xi32>
            %bitcast3A_129 = vector.bitcast %and3A_128 : vector<16xi32> to vector<16xf32>
            %swap3A_130 = arith.index_cast %add3A_88 : i32 to index
            %swap3A_131 = arith.constant 96 : index
            %swap3A_132 = tpu.vector_load %arg13[%swap3A_130, %swap3A_131] {strides = array<i32>} : memref<128x128xf32, #tpu.memory_space<vmem>>, vector<16xf32>,
            tpu.vector_store %arg13[%swap3A_130, %swap3A_131], %bitcast3A_129 {strides = array<i32>} : memref<128x128xf32, #tpu.memory_space<vmem>>, vector<16xf32>,
            %get3A_133 = arith.index_cast %add3A_88 : i32 to index
            %get3A_134 = arith.constant 48 : index
            %get3A_135 = tpu.vector_load %arg11[%get3A_133, %get3A_134] {strides = array<i32>} : memref<128x64xf32, #tpu.memory_space<vmem>>, vector<16xf32>,
            %bitcast3A_136 = vector.bitcast %get3A_135 : vector<16xf32> to vector<16xi32>
            %shift_left3A_137 = arith.constant 16 : i32
            %shift_left3A_138 = vector.broadcast %shift_left3A_137 : i32 to vector<16xi32>
            %shift_left3A_139 = arith.shli %bitcast3A_136, %shift_left3A_138 : vector<16xi32>
            %bitcast3A_140 = vector.bitcast %shift_left3A_139 : vector<16xi32> to vector<16xf32>
            %swap3A_141 = arith.index_cast %add3A_88 : i32 to index
            %swap3A_142 = arith.constant 48 : index
            %swap3A_143 = tpu.vector_load %arg13[%swap3A_141, %swap3A_142] {strides = array<i32>} : memref<128x128xf32, #tpu.memory_space<vmem>>, vector<16xf32>,
            tpu.vector_store %arg13[%swap3A_141, %swap3A_142], %bitcast3A_140 {strides = array<i32>} : memref<128x128xf32, #tpu.memory_space<vmem>>, vector<16xf32>,
            %and3A_144 = arith.andi %bitcast3A_136, %broadcast_in_dim3A_5 : vector<16xi32>
            %bitcast3A_145 = vector.bitcast %and3A_144 : vector<16xi32> to vector<16xf32>
            %swap3A_146 = arith.index_cast %add3A_88 : i32 to index
            %swap3A_147 = arith.constant 112 : index
            %swap3A_148 = tpu.vector_load %arg13[%swap3A_146, %swap3A_147] {strides = array<i32>} : memref<128x128xf32, #tpu.memory_space<vmem>>, vector<16xf32>,
            tpu.vector_store %arg13[%swap3A_146, %swap3A_147], %bitcast3A_145 {strides = array<i32>} : memref<128x128xf32, #tpu.memory_space<vmem>>, vector<16xf32>,
          }
          %scan3A_83 = arith.constant 128 : i32
          "tpu.region"() ({
            %run_scoped3A_84 = tpu.sem_alloc : memref<!tpu.dma_semaphore, #tpu.memory_space<semaphore_mem>>
            %dma_start3A_85 = arith.constant 0 : i32
            %dma_start3A_86 = tpu.memref_slice %arg10[%add3A_48, %dma_start3A_85] : memref<8x128xi32, #tpu.memory_space<vmem>> -> memref<1x128xi32, #tpu.memory_space<vmem>>
            %dma_start3A_87 = tpu.memref_squeeze %dma_start3A_86 : memref<1x128xi32, #tpu.memory_space<vmem>> -> memref<128xi32, #tpu.memory_space<vmem>>
            %dma_start3A_88 = arith.constant 0 : i32
            %dma_start3A_89 = arith.constant 0 : i32
            %dma_start3A_90 = tpu.memref_slice %arg14[%dma_start3A_88, %dma_start3A_89] : memref<10240x128xf32, #tpu.memory_space<vmem_shared>> -> memref<10240x128xf32, #tpu.memory_space<vmem_shared>>
            tpu.enqueue_indirect_dma source(%arg13 : memref<128x128xf32, #tpu.memory_space<vmem>>) target(%dma_start3A_90 : memref<10240x128xf32, #tpu.memory_space<vmem_shared>>) offsets(%dma_start3A_87 : memref<128xi32, #tpu.memory_space<vmem>>) semaphore(%run_scoped3A_84 : memref<!tpu.dma_semaphore, #tpu.memory_space<semaphore_mem>>) {add = true}
            %dma_wait3A_91 = arith.constant 0 : i32
            %dma_wait3A_92 = tpu.memref_slice %arg10[%add3A_48, %dma_wait3A_91] : memref<8x128xi32, #tpu.memory_space<vmem>> -> memref<1x128xi32, #tpu.memory_space<vmem>>
            %dma_wait3A_93 = tpu.memref_squeeze %dma_wait3A_92 : memref<1x128xi32, #tpu.memory_space<vmem>> -> memref<128xi32, #tpu.memory_space<vmem>>
            %dma_wait3A_94 = arith.constant 0 : i32
            %dma_wait3A_95 = arith.constant 0 : i32
            %dma_wait3A_96 = tpu.memref_slice %arg14[%dma_wait3A_94, %dma_wait3A_95] : memref<10240x128xf32, #tpu.memory_space<vmem_shared>> -> memref<10240x128xf32, #tpu.memory_space<vmem_shared>>
            tpu.wait_indirect_dma semaphore(%run_scoped3A_84 : memref<!tpu.dma_semaphore, #tpu.memory_space<semaphore_mem>>) src(%arg13 : memref<128x128xf32, #tpu.memory_space<vmem>>) dst(%dma_wait3A_96 : memref<10240x128xf32, #tpu.memory_space<vmem_shared>>)
            tpu.yield
          }) : () -> ()
        } else {
        }
        %not3A = arith.constant true
        %not3A_61 = arith.xori %eq3A_59, %not3A : i1
        %convert_element_type3A_62 = arith.extui %not3A_61 : i1 to i32
        %cond3A_63 = arith.constant 0 : i32
        %cond3A_64 = arith.cmpi ne, %convert_element_type3A_62, %cond3A_63 : i32
        scf.if %cond3A_64 {
          %add3A_65 = arith.constant 1 : i32
          %add3A_66 = arith.addi %add3A_48, %add3A_65 : i32
          %dma_start3A_67 = arith.constant 0 : i32
          %dma_start3A_68 = tpu.memref_slice %arg9[%add3A_66, %dma_start3A_67] : memref<8x128xi32, #tpu.memory_space<vmem>> -> memref<1x128xi32, #tpu.memory_space<vmem>>
          %dma_start3A_69 = tpu.memref_squeeze %dma_start3A_68 : memref<1x128xi32, #tpu.memory_space<vmem>> -> memref<128xi32, #tpu.memory_space<vmem>>
          %dma_start3A_70 = arith.constant 0 : i32
          %dma_start3A_71 = arith.constant 0 : i32
          %dma_start3A_72 = tpu.memref_slice %arg2[%dma_start3A_70, %dma_start3A_71] : memref<10240x64xf32, #tpu.memory_space<hbm>> -> memref<10240x64xf32, #tpu.memory_space<hbm>>
          tpu.enqueue_indirect_dma source(%dma_start3A_72 : memref<10240x64xf32, #tpu.memory_space<hbm>>) target(%arg11 : memref<128x64xf32, #tpu.memory_space<vmem>>) offsets(%dma_start3A_69 : memref<128xi32, #tpu.memory_space<vmem>>) semaphore(%arg15 : memref<!tpu.dma_semaphore, #tpu.memory_space<semaphore_mem>>)
          %dma_wait3A_73 = arith.constant 0 : i32
          %dma_wait3A_74 = tpu.memref_slice %arg9[%add3A_48, %dma_wait3A_73] : memref<8x128xi32, #tpu.memory_space<vmem>> -> memref<1x128xi32, #tpu.memory_space<vmem>>
          %dma_wait3A_75 = tpu.memref_squeeze %dma_wait3A_74 : memref<1x128xi32, #tpu.memory_space<vmem>> -> memref<128xi32, #tpu.memory_space<vmem>>
          %dma_wait3A_76 = arith.constant 0 : i32
          %dma_wait3A_77 = arith.constant 0 : i32
          %dma_wait3A_78 = tpu.memref_slice %arg2[%dma_wait3A_76, %dma_wait3A_77] : memref<10240x64xf32, #tpu.memory_space<hbm>> -> memref<10240x64xf32, #tpu.memory_space<hbm>>
          tpu.wait_indirect_dma semaphore(%arg16 : memref<!tpu.dma_semaphore, #tpu.memory_space<semaphore_mem>>) src(%dma_wait3A_78 : memref<10240x64xf32, #tpu.memory_space<hbm>>) dst(%arg12 : memref<128x64xf32, #tpu.memory_space<vmem>>)
          %scan3A_79 = arith.constant 0 : i32
          %scan3A_80 = arith.constant 128 : i32
          %scan3A_81 = arith.addi %scan3A_79, %scan3A_80 : i32
          %scan3A_82 = arith.constant 1 : i32
          scf.for %scan3A_84 = %scan3A_79 to %scan3A_81 step %scan3A_82  : i32 {
            %mul3A_85 = arith.constant 1 : i32
            %mul3A_86 = arith.muli %scan3A_84, %mul3A_85 : i32
            %add3A_87 = arith.constant 0 : i32
            %add3A_88 = arith.addi %add3A_87, %mul3A_86 : i32
            %get3A = arith.index_cast %add3A_88 : i32 to index
            %get3A_89 = arith.constant 0 : index
            %get3A_90 = tpu.vector_load %arg12[%get3A, %get3A_89] {strides = array<i32>} : memref<128x64xf32, #tpu.memory_space<vmem>>, vector<16xf32>,
            %bitcast3A = vector.bitcast %get3A_90 : vector<16xf32> to vector<16xi32>
            %shift_left3A = arith.constant 16 : i32
            %shift_left3A_91 = vector.broadcast %shift_left3A : i32 to vector<16xi32>
            %shift_left3A_92 = arith.shli %bitcast3A, %shift_left3A_91 : vector<16xi32>
            %bitcast3A_93 = vector.bitcast %shift_left3A_92 : vector<16xi32> to vector<16xf32>
            %swap3A = arith.index_cast %add3A_88 : i32 to index
            %swap3A_94 = arith.constant 0 : index
            %swap3A_95 = tpu.vector_load %arg13[%swap3A, %swap3A_94] {strides = array<i32>} : memref<128x128xf32, #tpu.memory_space<vmem>>, vector<16xf32>,
            tpu.vector_store %arg13[%swap3A, %swap3A_94], %bitcast3A_93 {strides = array<i32>} : memref<128x128xf32, #tpu.memory_space<vmem>>, vector<16xf32>,
            %and3A_96 = arith.andi %bitcast3A, %broadcast_in_dim3A_5 : vector<16xi32>
            %bitcast3A_97 = vector.bitcast %and3A_96 : vector<16xi32> to vector<16xf32>
            %swap3A_98 = arith.index_cast %add3A_88 : i32 to index
            %swap3A_99 = arith.constant 64 : index
            %swap3A_100 = tpu.vector_load %arg13[%swap3A_98, %swap3A_99] {strides = array<i32>} : memref<128x128xf32, #tpu.memory_space<vmem>>, vector<16xf32>,
            tpu.vector_store %arg13[%swap3A_98, %swap3A_99], %bitcast3A_97 {strides = array<i32>} : memref<128x128xf32, #tpu.memory_space<vmem>>, vector<16xf32>,
            %get3A_101 = arith.index_cast %add3A_88 : i32 to index
            %get3A_102 = arith.constant 16 : index
            %get3A_103 = tpu.vector_load %arg12[%get3A_101, %get3A_102] {strides = array<i32>} : memref<128x64xf32, #tpu.memory_space<vmem>>, vector<16xf32>,
            %bitcast3A_104 = vector.bitcast %get3A_103 : vector<16xf32> to vector<16xi32>
            %shift_left3A_105 = arith.constant 16 : i32
            %shift_left3A_106 = vector.broadcast %shift_left3A_105 : i32 to vector<16xi32>
            %shift_left3A_107 = arith.shli %bitcast3A_104, %shift_left3A_106 : vector<16xi32>
            %bitcast3A_108 = vector.bitcast %shift_left3A_107 : vector<16xi32> to vector<16xf32>
            %swap3A_109 = arith.index_cast %add3A_88 : i32 to index
            %swap3A_110 = arith.constant 16 : index
            %swap3A_111 = tpu.vector_load %arg13[%swap3A_109, %swap3A_110] {strides = array<i32>} : memref<128x128xf32, #tpu.memory_space<vmem>>, vector<16xf32>,
            tpu.vector_store %arg13[%swap3A_109, %swap3A_110], %bitcast3A_108 {strides = array<i32>} : memref<128x128xf32, #tpu.memory_space<vmem>>, vector<16xf32>,
            %and3A_112 = arith.andi %bitcast3A_104, %broadcast_in_dim3A_5 : vector<16xi32>
            %bitcast3A_113 = vector.bitcast %and3A_112 : vector<16xi32> to vector<16xf32>
            %swap3A_114 = arith.index_cast %add3A_88 : i32 to index
            %swap3A_115 = arith.constant 80 : index
            %swap3A_116 = tpu.vector_load %arg13[%swap3A_114, %swap3A_115] {strides = array<i32>} : memref<128x128xf32, #tpu.memory_space<vmem>>, vector<16xf32>,
            tpu.vector_store %arg13[%swap3A_114, %swap3A_115], %bitcast3A_113 {strides = array<i32>} : memref<128x128xf32, #tpu.memory_space<vmem>>, vector<16xf32>,
            %get3A_117 = arith.index_cast %add3A_88 : i32 to index
            %get3A_118 = arith.constant 32 : index
            %get3A_119 = tpu.vector_load %arg12[%get3A_117, %get3A_118] {strides = array<i32>} : memref<128x64xf32, #tpu.memory_space<vmem>>, vector<16xf32>,
            %bitcast3A_120 = vector.bitcast %get3A_119 : vector<16xf32> to vector<16xi32>
            %shift_left3A_121 = arith.constant 16 : i32
            %shift_left3A_122 = vector.broadcast %shift_left3A_121 : i32 to vector<16xi32>
            %shift_left3A_123 = arith.shli %bitcast3A_120, %shift_left3A_122 : vector<16xi32>
            %bitcast3A_124 = vector.bitcast %shift_left3A_123 : vector<16xi32> to vector<16xf32>
            %swap3A_125 = arith.index_cast %add3A_88 : i32 to index
            %swap3A_126 = arith.constant 32 : index
            %swap3A_127 = tpu.vector_load %arg13[%swap3A_125, %swap3A_126] {strides = array<i32>} : memref<128x128xf32, #tpu.memory_space<vmem>>, vector<16xf32>,
            tpu.vector_store %arg13[%swap3A_125, %swap3A_126], %bitcast3A_124 {strides = array<i32>} : memref<128x128xf32, #tpu.memory_space<vmem>>, vector<16xf32>,
            %and3A_128 = arith.andi %bitcast3A_120, %broadcast_in_dim3A_5 : vector<16xi32>
            %bitcast3A_129 = vector.bitcast %and3A_128 : vector<16xi32> to vector<16xf32>
            %swap3A_130 = arith.index_cast %add3A_88 : i32 to index
            %swap3A_131 = arith.constant 96 : index
            %swap3A_132 = tpu.vector_load %arg13[%swap3A_130, %swap3A_131] {strides = array<i32>} : memref<128x128xf32, #tpu.memory_space<vmem>>, vector<16xf32>,
            tpu.vector_store %arg13[%swap3A_130, %swap3A_131], %bitcast3A_129 {strides = array<i32>} : memref<128x128xf32, #tpu.memory_space<vmem>>, vector<16xf32>,
            %get3A_133 = arith.index_cast %add3A_88 : i32 to index
            %get3A_134 = arith.constant 48 : index
            %get3A_135 = tpu.vector_load %arg12[%get3A_133, %get3A_134] {strides = array<i32>} : memref<128x64xf32, #tpu.memory_space<vmem>>, vector<16xf32>,
            %bitcast3A_136 = vector.bitcast %get3A_135 : vector<16xf32> to vector<16xi32>
            %shift_left3A_137 = arith.constant 16 : i32
            %shift_left3A_138 = vector.broadcast %shift_left3A_137 : i32 to vector<16xi32>
            %shift_left3A_139 = arith.shli %bitcast3A_136, %shift_left3A_138 : vector<16xi32>
            %bitcast3A_140 = vector.bitcast %shift_left3A_139 : vector<16xi32> to vector<16xf32>
            %swap3A_141 = arith.index_cast %add3A_88 : i32 to index
            %swap3A_142 = arith.constant 48 : index
            %swap3A_143 = tpu.vector_load %arg13[%swap3A_141, %swap3A_142] {strides = array<i32>} : memref<128x128xf32, #tpu.memory_space<vmem>>, vector<16xf32>,
            tpu.vector_store %arg13[%swap3A_141, %swap3A_142], %bitcast3A_140 {strides = array<i32>} : memref<128x128xf32, #tpu.memory_space<vmem>>, vector<16xf32>,
            %and3A_144 = arith.andi %bitcast3A_136, %broadcast_in_dim3A_5 : vector<16xi32>
            %bitcast3A_145 = vector.bitcast %and3A_144 : vector<16xi32> to vector<16xf32>
            %swap3A_146 = arith.index_cast %add3A_88 : i32 to index
            %swap3A_147 = arith.constant 112 : index
            %swap3A_148 = tpu.vector_load %arg13[%swap3A_146, %swap3A_147] {strides = array<i32>} : memref<128x128xf32, #tpu.memory_space<vmem>>, vector<16xf32>,
            tpu.vector_store %arg13[%swap3A_146, %swap3A_147], %bitcast3A_145 {strides = array<i32>} : memref<128x128xf32, #tpu.memory_space<vmem>>, vector<16xf32>,
          }
          %scan3A_83 = arith.constant 128 : i32
          "tpu.region"() ({
            %run_scoped3A_84 = tpu.sem_alloc : memref<!tpu.dma_semaphore, #tpu.memory_space<semaphore_mem>>
            %dma_start3A_85 = arith.constant 0 : i32
            %dma_start3A_86 = tpu.memref_slice %arg10[%add3A_48, %dma_start3A_85] : memref<8x128xi32, #tpu.memory_space<vmem>> -> memref<1x128xi32, #tpu.memory_space<vmem>>
            %dma_start3A_87 = tpu.memref_squeeze %dma_start3A_86 : memref<1x128xi32, #tpu.memory_space<vmem>> -> memref<128xi32, #tpu.memory_space<vmem>>
            %dma_start3A_88 = arith.constant 0 : i32
            %dma_start3A_89 = arith.constant 0 : i32
            %dma_start3A_90 = tpu.memref_slice %arg14[%dma_start3A_88, %dma_start3A_89] : memref<10240x128xf32, #tpu.memory_space<vmem_shared>> -> memref<10240x128xf32, #tpu.memory_space<vmem_shared>>
            tpu.enqueue_indirect_dma source(%arg13 : memref<128x128xf32, #tpu.memory_space<vmem>>) target(%dma_start3A_90 : memref<10240x128xf32, #tpu.memory_space<vmem_shared>>) offsets(%dma_start3A_87 : memref<128xi32, #tpu.memory_space<vmem>>) semaphore(%run_scoped3A_84 : memref<!tpu.dma_semaphore, #tpu.memory_space<semaphore_mem>>) {add = true}
            %dma_wait3A_91 = arith.constant 0 : i32
            %dma_wait3A_92 = tpu.memref_slice %arg10[%add3A_48, %dma_wait3A_91] : memref<8x128xi32, #tpu.memory_space<vmem>> -> memref<1x128xi32, #tpu.memory_space<vmem>>
            %dma_wait3A_93 = tpu.memref_squeeze %dma_wait3A_92 : memref<1x128xi32, #tpu.memory_space<vmem>> -> memref<128xi32, #tpu.memory_space<vmem>>
            %dma_wait3A_94 = arith.constant 0 : i32
            %dma_wait3A_95 = arith.constant 0 : i32
            %dma_wait3A_96 = tpu.memref_slice %arg14[%dma_wait3A_94, %dma_wait3A_95] : memref<10240x128xf32, #tpu.memory_space<vmem_shared>> -> memref<10240x128xf32, #tpu.memory_space<vmem_shared>>
            tpu.wait_indirect_dma semaphore(%run_scoped3A_84 : memref<!tpu.dma_semaphore, #tpu.memory_space<semaphore_mem>>) src(%arg13 : memref<128x128xf32, #tpu.memory_space<vmem>>) dst(%dma_wait3A_96 : memref<10240x128xf32, #tpu.memory_space<vmem_shared>>)
            tpu.yield
          }) : () -> ()
        } else {
        }
      }
      %scan3A_32 = arith.constant 7 : i32
      %dma_wait3A = arith.constant 7 : i32
      %dma_wait3A_33 = arith.constant 0 : i32
      %dma_wait3A_34 = tpu.memref_slice %arg9[%dma_wait3A, %dma_wait3A_33] : memref<8x128xi32, #tpu.memory_space<vmem>> -> memref<1x128xi32, #tpu.memory_space<vmem>>
      %dma_wait3A_35 = tpu.memref_squeeze %dma_wait3A_34 : memref<1x128xi32, #tpu.memory_space<vmem>> -> memref<128xi32, #tpu.memory_space<vmem>>
      %dma_wait3A_36 = arith.constant 0 : i32
      %dma_wait3A_37 = arith.constant 0 : i32
      %dma_wait3A_38 = tpu.memref_slice %arg2[%dma_wait3A_36, %dma_wait3A_37] : memref<10240x64xf32, #tpu.memory_space<hbm>> -> memref<10240x64xf32, #tpu.memory_space<hbm>>
      tpu.wait_indirect_dma semaphore(%arg16 : memref<!tpu.dma_semaphore, #tpu.memory_space<semaphore_mem>>) src(%dma_wait3A_38 : memref<10240x64xf32, #tpu.memory_space<hbm>>) dst(%arg12 : memref<128x64xf32, #tpu.memory_space<vmem>>)
      %scan3A_39 = arith.constant 0 : i32
      %scan3A_40 = arith.constant 128 : i32
      %scan3A_41 = arith.addi %scan3A_39, %scan3A_40 : i32
      %scan3A_42 = arith.constant 1 : i32
      scf.for %scan3A_44 = %scan3A_39 to %scan3A_41 step %scan3A_42  : i32 {
        %mul3A_45 = arith.constant 1 : i32
        %mul3A_46 = arith.muli %scan3A_44, %mul3A_45 : i32
        %add3A_47 = arith.constant 0 : i32
        %add3A_48 = arith.addi %add3A_47, %mul3A_46 : i32
        %get3A = arith.index_cast %add3A_48 : i32 to index
        %get3A_49 = arith.constant 0 : index
        %get3A_50 = tpu.vector_load %arg12[%get3A, %get3A_49] {strides = array<i32>} : memref<128x64xf32, #tpu.memory_space<vmem>>, vector<16xf32>,
        %bitcast3A = vector.bitcast %get3A_50 : vector<16xf32> to vector<16xi32>
        %shift_left3A = arith.constant 16 : i32
        %shift_left3A_51 = vector.broadcast %shift_left3A : i32 to vector<16xi32>
        %shift_left3A_52 = arith.shli %bitcast3A, %shift_left3A_51 : vector<16xi32>
        %bitcast3A_53 = vector.bitcast %shift_left3A_52 : vector<16xi32> to vector<16xf32>
        %swap3A = arith.index_cast %add3A_48 : i32 to index
        %swap3A_54 = arith.constant 0 : index
        %swap3A_55 = tpu.vector_load %arg13[%swap3A, %swap3A_54] {strides = array<i32>} : memref<128x128xf32, #tpu.memory_space<vmem>>, vector<16xf32>,
        tpu.vector_store %arg13[%swap3A, %swap3A_54], %bitcast3A_53 {strides = array<i32>} : memref<128x128xf32, #tpu.memory_space<vmem>>, vector<16xf32>,
        %and3A = arith.andi %bitcast3A, %broadcast_in_dim3A_5 : vector<16xi32>
        %bitcast3A_56 = vector.bitcast %and3A : vector<16xi32> to vector<16xf32>
        %swap3A_57 = arith.index_cast %add3A_48 : i32 to index
        %swap3A_58 = arith.constant 64 : index
        %swap3A_59 = tpu.vector_load %arg13[%swap3A_57, %swap3A_58] {strides = array<i32>} : memref<128x128xf32, #tpu.memory_space<vmem>>, vector<16xf32>,
        tpu.vector_store %arg13[%swap3A_57, %swap3A_58], %bitcast3A_56 {strides = array<i32>} : memref<128x128xf32, #tpu.memory_space<vmem>>, vector<16xf32>,
        %get3A_60 = arith.index_cast %add3A_48 : i32 to index
        %get3A_61 = arith.constant 16 : index
        %get3A_62 = tpu.vector_load %arg12[%get3A_60, %get3A_61] {strides = array<i32>} : memref<128x64xf32, #tpu.memory_space<vmem>>, vector<16xf32>,
        %bitcast3A_63 = vector.bitcast %get3A_62 : vector<16xf32> to vector<16xi32>
        %shift_left3A_64 = arith.constant 16 : i32
        %shift_left3A_65 = vector.broadcast %shift_left3A_64 : i32 to vector<16xi32>
        %shift_left3A_66 = arith.shli %bitcast3A_63, %shift_left3A_65 : vector<16xi32>
        %bitcast3A_67 = vector.bitcast %shift_left3A_66 : vector<16xi32> to vector<16xf32>
        %swap3A_68 = arith.index_cast %add3A_48 : i32 to index
        %swap3A_69 = arith.constant 16 : index
        %swap3A_70 = tpu.vector_load %arg13[%swap3A_68, %swap3A_69] {strides = array<i32>} : memref<128x128xf32, #tpu.memory_space<vmem>>, vector<16xf32>,
        tpu.vector_store %arg13[%swap3A_68, %swap3A_69], %bitcast3A_67 {strides = array<i32>} : memref<128x128xf32, #tpu.memory_space<vmem>>, vector<16xf32>,
        %and3A_71 = arith.andi %bitcast3A_63, %broadcast_in_dim3A_5 : vector<16xi32>
        %bitcast3A_72 = vector.bitcast %and3A_71 : vector<16xi32> to vector<16xf32>
        %swap3A_73 = arith.index_cast %add3A_48 : i32 to index
        %swap3A_74 = arith.constant 80 : index
        %swap3A_75 = tpu.vector_load %arg13[%swap3A_73, %swap3A_74] {strides = array<i32>} : memref<128x128xf32, #tpu.memory_space<vmem>>, vector<16xf32>,
        tpu.vector_store %arg13[%swap3A_73, %swap3A_74], %bitcast3A_72 {strides = array<i32>} : memref<128x128xf32, #tpu.memory_space<vmem>>, vector<16xf32>,
        %get3A_76 = arith.index_cast %add3A_48 : i32 to index
        %get3A_77 = arith.constant 32 : index
        %get3A_78 = tpu.vector_load %arg12[%get3A_76, %get3A_77] {strides = array<i32>} : memref<128x64xf32, #tpu.memory_space<vmem>>, vector<16xf32>,
        %bitcast3A_79 = vector.bitcast %get3A_78 : vector<16xf32> to vector<16xi32>
        %shift_left3A_80 = arith.constant 16 : i32
        %shift_left3A_81 = vector.broadcast %shift_left3A_80 : i32 to vector<16xi32>
        %shift_left3A_82 = arith.shli %bitcast3A_79, %shift_left3A_81 : vector<16xi32>
        %bitcast3A_83 = vector.bitcast %shift_left3A_82 : vector<16xi32> to vector<16xf32>
        %swap3A_84 = arith.index_cast %add3A_48 : i32 to index
        %swap3A_85 = arith.constant 32 : index
        %swap3A_86 = tpu.vector_load %arg13[%swap3A_84, %swap3A_85] {strides = array<i32>} : memref<128x128xf32, #tpu.memory_space<vmem>>, vector<16xf32>,
        tpu.vector_store %arg13[%swap3A_84, %swap3A_85], %bitcast3A_83 {strides = array<i32>} : memref<128x128xf32, #tpu.memory_space<vmem>>, vector<16xf32>,
        %and3A_87 = arith.andi %bitcast3A_79, %broadcast_in_dim3A_5 : vector<16xi32>
        %bitcast3A_88 = vector.bitcast %and3A_87 : vector<16xi32> to vector<16xf32>
        %swap3A_89 = arith.index_cast %add3A_48 : i32 to index
        %swap3A_90 = arith.constant 96 : index
        %swap3A_91 = tpu.vector_load %arg13[%swap3A_89, %swap3A_90] {strides = array<i32>} : memref<128x128xf32, #tpu.memory_space<vmem>>, vector<16xf32>,
        tpu.vector_store %arg13[%swap3A_89, %swap3A_90], %bitcast3A_88 {strides = array<i32>} : memref<128x128xf32, #tpu.memory_space<vmem>>, vector<16xf32>,
        %get3A_92 = arith.index_cast %add3A_48 : i32 to index
        %get3A_93 = arith.constant 48 : index
        %get3A_94 = tpu.vector_load %arg12[%get3A_92, %get3A_93] {strides = array<i32>} : memref<128x64xf32, #tpu.memory_space<vmem>>, vector<16xf32>,
        %bitcast3A_95 = vector.bitcast %get3A_94 : vector<16xf32> to vector<16xi32>
        %shift_left3A_96 = arith.constant 16 : i32
        %shift_left3A_97 = vector.broadcast %shift_left3A_96 : i32 to vector<16xi32>
        %shift_left3A_98 = arith.shli %bitcast3A_95, %shift_left3A_97 : vector<16xi32>
        %bitcast3A_99 = vector.bitcast %shift_left3A_98 : vector<16xi32> to vector<16xf32>
        %swap3A_100 = arith.index_cast %add3A_48 : i32 to index
        %swap3A_101 = arith.constant 48 : index
        %swap3A_102 = tpu.vector_load %arg13[%swap3A_100, %swap3A_101] {strides = array<i32>} : memref<128x128xf32, #tpu.memory_space<vmem>>, vector<16xf32>,
        tpu.vector_store %arg13[%swap3A_100, %swap3A_101], %bitcast3A_99 {strides = array<i32>} : memref<128x128xf32, #tpu.memory_space<vmem>>, vector<16xf32>,
        %and3A_103 = arith.andi %bitcast3A_95, %broadcast_in_dim3A_5 : vector<16xi32>
        %bitcast3A_104 = vector.bitcast %and3A_103 : vector<16xi32> to vector<16xf32>
        %swap3A_105 = arith.index_cast %add3A_48 : i32 to index
        %swap3A_106 = arith.constant 112 : index
        %swap3A_107 = tpu.vector_load %arg13[%swap3A_105, %swap3A_106] {strides = array<i32>} : memref<128x128xf32, #tpu.memory_space<vmem>>, vector<16xf32>,
        tpu.vector_store %arg13[%swap3A_105, %swap3A_106], %bitcast3A_104 {strides = array<i32>} : memref<128x128xf32, #tpu.memory_space<vmem>>, vector<16xf32>,
      }
      %scan3A_43 = arith.constant 128 : i32
      %run_scoped3A = arith.constant 7 : i32
      "tpu.region"() ({
        %run_scoped3A_44 = tpu.sem_alloc : memref<!tpu.dma_semaphore, #tpu.memory_space<semaphore_mem>>
        %dma_start3A_45 = arith.constant 0 : i32
        %dma_start3A_46 = tpu.memref_slice %arg10[%run_scoped3A, %dma_start3A_45] : memref<8x128xi32, #tpu.memory_space<vmem>> -> memref<1x128xi32, #tpu.memory_space<vmem>>
        %dma_start3A_47 = tpu.memref_squeeze %dma_start3A_46 : memref<1x128xi32, #tpu.memory_space<vmem>> -> memref<128xi32, #tpu.memory_space<vmem>>
        %dma_start3A_48 = arith.constant 0 : i32
        %dma_start3A_49 = arith.constant 0 : i32
        %dma_start3A_50 = tpu.memref_slice %arg14[%dma_start3A_48, %dma_start3A_49] : memref<10240x128xf32, #tpu.memory_space<vmem_shared>> -> memref<10240x128xf32, #tpu.memory_space<vmem_shared>>
        tpu.enqueue_indirect_dma source(%arg13 : memref<128x128xf32, #tpu.memory_space<vmem>>) target(%dma_start3A_50 : memref<10240x128xf32, #tpu.memory_space<vmem_shared>>) offsets(%dma_start3A_47 : memref<128xi32, #tpu.memory_space<vmem>>) semaphore(%run_scoped3A_44 : memref<!tpu.dma_semaphore, #tpu.memory_space<semaphore_mem>>) {add = true}
        %dma_wait3A_51 = arith.constant 0 : i32
        %dma_wait3A_52 = tpu.memref_slice %arg10[%run_scoped3A, %dma_wait3A_51] : memref<8x128xi32, #tpu.memory_space<vmem>> -> memref<1x128xi32, #tpu.memory_space<vmem>>
        %dma_wait3A_53 = tpu.memref_squeeze %dma_wait3A_52 : memref<1x128xi32, #tpu.memory_space<vmem>> -> memref<128xi32, #tpu.memory_space<vmem>>
        %dma_wait3A_54 = arith.constant 0 : i32
        %dma_wait3A_55 = arith.constant 0 : i32
        %dma_wait3A_56 = tpu.memref_slice %arg14[%dma_wait3A_54, %dma_wait3A_55] : memref<10240x128xf32, #tpu.memory_space<vmem_shared>> -> memref<10240x128xf32, #tpu.memory_space<vmem_shared>>
        tpu.wait_indirect_dma semaphore(%run_scoped3A_44 : memref<!tpu.dma_semaphore, #tpu.memory_space<semaphore_mem>>) src(%arg13 : memref<128x128xf32, #tpu.memory_space<vmem>>) dst(%dma_wait3A_56 : memref<10240x128xf32, #tpu.memory_space<vmem_shared>>)
        tpu.yield
      }) : () -> ()
    }
    %scan3A_9 = arith.constant 10 : i32
    %barrier3A_10 = arith.constant 0 : index
    tpu.barrier barrier_id(%barrier3A_10)
    "tpu.region"() ({
      %run_scoped3A = tpu.sem_alloc : memref<!tpu.dma_semaphore, #tpu.memory_space<semaphore_mem>>
      %dma_start3A = arith.constant 0 : i32
      %dma_start3A_11 = tpu.memref_slice %arg8[%arg0, %mul3A_0, %dma_start3A] : memref<2x10240x128xf32, #tpu.memory_space<hbm>> -> memref<1x640x128xf32, #tpu.memory_space<hbm>>
      %dma_start3A_12 = tpu.memref_squeeze %dma_start3A_11 : memref<1x640x128xf32, #tpu.memory_space<hbm>> -> memref<640x128xf32, #tpu.memory_space<hbm>>
      %dma_start3A_13 = arith.constant 0 : i32
      %dma_start3A_14 = tpu.memref_slice %arg14[%mul3A_0, %dma_start3A_13] : memref<10240x128xf32, #tpu.memory_space<vmem_shared>> -> memref<640x128xf32, #tpu.memory_space<vmem_shared>>
      tpu.enqueue_dma source(%dma_start3A_14 : memref<640x128xf32, #tpu.memory_space<vmem_shared>>) target(%dma_start3A_12 : memref<640x128xf32, #tpu.memory_space<hbm>>) target_semaphore(%run_scoped3A : memref<!tpu.dma_semaphore, #tpu.memory_space<semaphore_mem>>)
      %dma_wait3A = arith.constant 0 : i32
      %dma_wait3A_15 = tpu.memref_slice %arg8[%arg0, %mul3A_0, %dma_wait3A] : memref<2x10240x128xf32, #tpu.memory_space<hbm>> -> memref<1x640x128xf32, #tpu.memory_space<hbm>>
      %dma_wait3A_16 = tpu.memref_squeeze %dma_wait3A_15 : memref<1x640x128xf32, #tpu.memory_space<hbm>> -> memref<640x128xf32, #tpu.memory_space<hbm>>
      %dma_wait3A_17 = arith.constant 0 : i32
      %dma_wait3A_18 = tpu.memref_slice %arg14[%mul3A_0, %dma_wait3A_17] : memref<10240x128xf32, #tpu.memory_space<vmem_shared>> -> memref<640x128xf32, #tpu.memory_space<vmem_shared>>
      tpu.wait_dma2 semaphore(%run_scoped3A : memref<!tpu.dma_semaphore, #tpu.memory_space<semaphore_mem>>) src(%dma_wait3A_18 : memref<640x128xf32, #tpu.memory_space<vmem_shared>>) dst(%dma_wait3A_16 : memref<640x128xf32, #tpu.memory_space<hbm>>)
      tpu.yield
    }) : () -> ()
    return
  }
}

#map = affine_map<(d0, d1) -> (0, 0)>
#map1 = affine_map<(d0, d1) -> (0, 0, 0)>
module attributes {stable_mosaic.version = 14 : i64} {
  func.func @k(%arg0: i32, %arg1: i32, %arg2: memref<10240x64xf32, #tpu.memory_space<hbm>>, %arg3: memref<2560x128xi32, #tpu.memory_space<hbm>>, %arg4: memref<2560x128xi32, #tpu.memory_space<hbm>>, %arg5: memref<10240x128xf32, #tpu.memory_space<hbm>>, %arg6: memref<10240x16xf32, #tpu.memory_space<hbm>>, %arg7: memref<128x16xf32, #tpu.memory_space<hbm>>, %arg8: memref<2x10240x128xf32, #tpu.memory_space<hbm>>, %arg9: memref<2x10240x16xf32, #tpu.memory_space<hbm>>, %arg10: memref<8x128xi32, #tpu.memory_space<vmem>>, %arg11: memref<8x128xi32, #tpu.memory_space<vmem>>, %arg12: memref<128x64xf32, #tpu.memory_space<vmem>>, %arg13: memref<128x64xf32, #tpu.memory_space<vmem>>, %arg14: memref<128x128xf32, #tpu.memory_space<vmem>>, %arg15: memref<10240x128xf32, #tpu.memory_space<vmem_shared>>, %arg16: memref<!tpu.dma_semaphore, #tpu.memory_space<semaphore_mem>>, %arg17: memref<!tpu.dma_semaphore, #tpu.memory_space<semaphore_mem>>, %arg18: memref<128x16xf32, #tpu.memory_space<vmem>>, %arg19: memref<10240x16xf32, #tpu.memory_space<vmem_shared>>) attributes {dimension_semantics = [#tpu.dimension_semantics<core_parallel>, #tpu.dimension_semantics<subcore_parallel>], iteration_bounds = array<i64: 2, 16>, scalar_prefetch = 0 : i64, scratch_operands = 10 : i64, tpu.core_type = #tpu.core_type<sc_vector_subcore>, window_params = [{transform_indices = #map}, {transform_indices = #map}, {transform_indices = #map}, {transform_indices = #map}, {transform_indices = #map}, {transform_indices = #map}, {transform_indices = #map1}, {transform_indices = #map1}]} {
    %mul3A = arith.constant 640 : i32
    %mul3A_0 = arith.muli %arg1, %mul3A : i32
    "tpu.region"() ({
      %run_scoped3A = tpu.sem_alloc : memref<!tpu.dma_semaphore, #tpu.memory_space<semaphore_mem>>
      %dma_start3A = arith.constant 0 : i32
      %dma_start3A_11 = tpu.memref_slice %arg15[%mul3A_0, %dma_start3A] : memref<10240x128xf32, #tpu.memory_space<vmem_shared>> -> memref<640x128xf32, #tpu.memory_space<vmem_shared>>
      %dma_start3A_12 = arith.constant 0 : i32
      %dma_start3A_13 = tpu.memref_slice %arg5[%mul3A_0, %dma_start3A_12] : memref<10240x128xf32, #tpu.memory_space<hbm>> -> memref<640x128xf32, #tpu.memory_space<hbm>>
      tpu.enqueue_dma source(%dma_start3A_13 : memref<640x128xf32, #tpu.memory_space<hbm>>) target(%dma_start3A_11 : memref<640x128xf32, #tpu.memory_space<vmem_shared>>) target_semaphore(%run_scoped3A : memref<!tpu.dma_semaphore, #tpu.memory_space<semaphore_mem>>)
      %dma_wait3A = arith.constant 0 : i32
      %dma_wait3A_14 = tpu.memref_slice %arg15[%mul3A_0, %dma_wait3A] : memref<10240x128xf32, #tpu.memory_space<vmem_shared>> -> memref<640x128xf32, #tpu.memory_space<vmem_shared>>
      %dma_wait3A_15 = arith.constant 0 : i32
      %dma_wait3A_16 = tpu.memref_slice %arg5[%mul3A_0, %dma_wait3A_15] : memref<10240x128xf32, #tpu.memory_space<hbm>> -> memref<640x128xf32, #tpu.memory_space<hbm>>
      tpu.wait_dma2 semaphore(%run_scoped3A : memref<!tpu.dma_semaphore, #tpu.memory_space<semaphore_mem>>) src(%dma_wait3A_16 : memref<640x128xf32, #tpu.memory_space<hbm>>) dst(%dma_wait3A_14 : memref<640x128xf32, #tpu.memory_space<vmem_shared>>)
      tpu.yield
    }) : () -> ()
    "tpu.region"() ({
      %run_scoped3A = tpu.sem_alloc : memref<!tpu.dma_semaphore, #tpu.memory_space<semaphore_mem>>
      %dma_start3A = arith.constant 0 : i32
      %dma_start3A_11 = tpu.memref_slice %arg19[%mul3A_0, %dma_start3A] : memref<10240x16xf32, #tpu.memory_space<vmem_shared>> -> memref<640x16xf32, #tpu.memory_space<vmem_shared>>
      %dma_start3A_12 = arith.constant 0 : i32
      %dma_start3A_13 = tpu.memref_slice %arg6[%mul3A_0, %dma_start3A_12] : memref<10240x16xf32, #tpu.memory_space<hbm>> -> memref<640x16xf32, #tpu.memory_space<hbm>>
      tpu.enqueue_dma source(%dma_start3A_13 : memref<640x16xf32, #tpu.memory_space<hbm>>) target(%dma_start3A_11 : memref<640x16xf32, #tpu.memory_space<vmem_shared>>) target_semaphore(%run_scoped3A : memref<!tpu.dma_semaphore, #tpu.memory_space<semaphore_mem>>)
      %dma_wait3A = arith.constant 0 : i32
      %dma_wait3A_14 = tpu.memref_slice %arg19[%mul3A_0, %dma_wait3A] : memref<10240x16xf32, #tpu.memory_space<vmem_shared>> -> memref<640x16xf32, #tpu.memory_space<vmem_shared>>
      %dma_wait3A_15 = arith.constant 0 : i32
      %dma_wait3A_16 = tpu.memref_slice %arg6[%mul3A_0, %dma_wait3A_15] : memref<10240x16xf32, #tpu.memory_space<hbm>> -> memref<640x16xf32, #tpu.memory_space<hbm>>
      tpu.wait_dma2 semaphore(%run_scoped3A : memref<!tpu.dma_semaphore, #tpu.memory_space<semaphore_mem>>) src(%dma_wait3A_16 : memref<640x16xf32, #tpu.memory_space<hbm>>) dst(%dma_wait3A_14 : memref<640x16xf32, #tpu.memory_space<vmem_shared>>)
      tpu.yield
    }) : () -> ()
    "tpu.region"() ({
      %run_scoped3A = tpu.sem_alloc : memref<!tpu.dma_semaphore, #tpu.memory_space<semaphore_mem>>
      tpu.enqueue_dma source(%arg7 : memref<128x16xf32, #tpu.memory_space<hbm>>) target(%arg18 : memref<128x16xf32, #tpu.memory_space<vmem>>) target_semaphore(%run_scoped3A : memref<!tpu.dma_semaphore, #tpu.memory_space<semaphore_mem>>)
      tpu.wait_dma2 semaphore(%run_scoped3A : memref<!tpu.dma_semaphore, #tpu.memory_space<semaphore_mem>>) src(%arg7 : memref<128x16xf32, #tpu.memory_space<hbm>>) dst(%arg18 : memref<128x16xf32, #tpu.memory_space<vmem>>)
      tpu.yield
    }) : () -> ()
    %mul3A_1 = arith.constant 16 : i32
    %mul3A_2 = arith.muli %arg0, %mul3A_1 : i32
    %add3A = arith.addi %mul3A_2, %arg1 : i32
    %mul3A_3 = arith.constant 80 : i32
    %mul3A_4 = arith.muli %add3A, %mul3A_3 : i32
    %barrier3A = arith.constant 0 : index
    tpu.barrier barrier_id(%barrier3A)
    %broadcast_in_dim3A = arith.constant -65536 : i32
    %broadcast_in_dim3A_5 = vector.broadcast %broadcast_in_dim3A : i32 to vector<16xi32>
    %scan3A = arith.constant 0 : i32
    %scan3A_6 = arith.constant 10 : i32
    %scan3A_7 = arith.addi %scan3A, %scan3A_6 : i32
    %scan3A_8 = arith.constant 1 : i32
    scf.for %scan3A_11 = %scan3A to %scan3A_7 step %scan3A_8  : i32 {
      %mul3A_12 = arith.constant 1 : i32
      %mul3A_13 = arith.muli %scan3A_11, %mul3A_12 : i32
      %add3A_14 = arith.constant 0 : i32
      %add3A_15 = arith.addi %add3A_14, %mul3A_13 : i32
      %mul3A_16 = arith.constant 8 : i32
      %mul3A_17 = arith.muli %add3A_15, %mul3A_16 : i32
      %add3A_18 = arith.addi %mul3A_4, %mul3A_17 : i32
      "tpu.region"() ({
        %run_scoped3A_45 = tpu.sem_alloc : memref<!tpu.dma_semaphore, #tpu.memory_space<semaphore_mem>>
        %dma_start3A_46 = arith.constant 0 : i32
        %dma_start3A_47 = tpu.memref_slice %arg3[%add3A_18, %dma_start3A_46] : memref<2560x128xi32, #tpu.memory_space<hbm>> -> memref<8x128xi32, #tpu.memory_space<hbm>>
        %dma_start3A_48 = arith.constant 0 : i32
        %dma_start3A_49 = tpu.memref_slice %arg3[%add3A_18, %dma_start3A_48] : memref<2560x128xi32, #tpu.memory_space<hbm>> -> memref<8x128xi32, #tpu.memory_space<hbm>>
        tpu.enqueue_dma source(%dma_start3A_49 : memref<8x128xi32, #tpu.memory_space<hbm>>) target(%arg10 : memref<8x128xi32, #tpu.memory_space<vmem>>) target_semaphore(%run_scoped3A_45 : memref<!tpu.dma_semaphore, #tpu.memory_space<semaphore_mem>>)
        %dma_wait3A_50 = arith.constant 0 : i32
        %dma_wait3A_51 = tpu.memref_slice %arg3[%add3A_18, %dma_wait3A_50] : memref<2560x128xi32, #tpu.memory_space<hbm>> -> memref<8x128xi32, #tpu.memory_space<hbm>>
        %dma_wait3A_52 = arith.constant 0 : i32
        %dma_wait3A_53 = tpu.memref_slice %arg3[%add3A_18, %dma_wait3A_52] : memref<2560x128xi32, #tpu.memory_space<hbm>> -> memref<8x128xi32, #tpu.memory_space<hbm>>
        tpu.wait_dma2 semaphore(%run_scoped3A_45 : memref<!tpu.dma_semaphore, #tpu.memory_space<semaphore_mem>>) src(%dma_wait3A_53 : memref<8x128xi32, #tpu.memory_space<hbm>>) dst(%arg10 : memref<8x128xi32, #tpu.memory_space<vmem>>)
        tpu.yield
      }) : () -> ()
      %mul3A_19 = arith.constant 8 : i32
      %mul3A_20 = arith.muli %add3A_15, %mul3A_19 : i32
      %add3A_21 = arith.addi %mul3A_4, %mul3A_20 : i32
      "tpu.region"() ({
        %run_scoped3A_45 = tpu.sem_alloc : memref<!tpu.dma_semaphore, #tpu.memory_space<semaphore_mem>>
        %dma_start3A_46 = arith.constant 0 : i32
        %dma_start3A_47 = tpu.memref_slice %arg4[%add3A_21, %dma_start3A_46] : memref<2560x128xi32, #tpu.memory_space<hbm>> -> memref<8x128xi32, #tpu.memory_space<hbm>>
        %dma_start3A_48 = arith.constant 0 : i32
        %dma_start3A_49 = tpu.memref_slice %arg4[%add3A_21, %dma_start3A_48] : memref<2560x128xi32, #tpu.memory_space<hbm>> -> memref<8x128xi32, #tpu.memory_space<hbm>>
        tpu.enqueue_dma source(%dma_start3A_49 : memref<8x128xi32, #tpu.memory_space<hbm>>) target(%arg11 : memref<8x128xi32, #tpu.memory_space<vmem>>) target_semaphore(%run_scoped3A_45 : memref<!tpu.dma_semaphore, #tpu.memory_space<semaphore_mem>>)
        %dma_wait3A_50 = arith.constant 0 : i32
        %dma_wait3A_51 = tpu.memref_slice %arg4[%add3A_21, %dma_wait3A_50] : memref<2560x128xi32, #tpu.memory_space<hbm>> -> memref<8x128xi32, #tpu.memory_space<hbm>>
        %dma_wait3A_52 = arith.constant 0 : i32
        %dma_wait3A_53 = tpu.memref_slice %arg4[%add3A_21, %dma_wait3A_52] : memref<2560x128xi32, #tpu.memory_space<hbm>> -> memref<8x128xi32, #tpu.memory_space<hbm>>
        tpu.wait_dma2 semaphore(%run_scoped3A_45 : memref<!tpu.dma_semaphore, #tpu.memory_space<semaphore_mem>>) src(%dma_wait3A_53 : memref<8x128xi32, #tpu.memory_space<hbm>>) dst(%arg11 : memref<8x128xi32, #tpu.memory_space<vmem>>)
        tpu.yield
      }) : () -> ()
      %dma_start3A = arith.constant 0 : i32
      %dma_start3A_22 = arith.constant 0 : i32
      %dma_start3A_23 = tpu.memref_slice %arg10[%dma_start3A, %dma_start3A_22] : memref<8x128xi32, #tpu.memory_space<vmem>> -> memref<1x128xi32, #tpu.memory_space<vmem>>
      %dma_start3A_24 = tpu.memref_squeeze %dma_start3A_23 : memref<1x128xi32, #tpu.memory_space<vmem>> -> memref<128xi32, #tpu.memory_space<vmem>>
      %dma_start3A_25 = arith.constant 0 : i32
      %dma_start3A_26 = arith.constant 0 : i32
      %dma_start3A_27 = tpu.memref_slice %arg2[%dma_start3A_25, %dma_start3A_26] : memref<10240x64xf32, #tpu.memory_space<hbm>> -> memref<10240x64xf32, #tpu.memory_space<hbm>>
      tpu.enqueue_indirect_dma source(%dma_start3A_27 : memref<10240x64xf32, #tpu.memory_space<hbm>>) target(%arg12 : memref<128x64xf32, #tpu.memory_space<vmem>>) offsets(%dma_start3A_24 : memref<128xi32, #tpu.memory_space<vmem>>) semaphore(%arg16 : memref<!tpu.dma_semaphore, #tpu.memory_space<semaphore_mem>>)
      %scan3A_28 = arith.constant 0 : i32
      %scan3A_29 = arith.constant 7 : i32
      %scan3A_30 = arith.addi %scan3A_28, %scan3A_29 : i32
      %scan3A_31 = arith.constant 1 : i32
      scf.for %scan3A_45 = %scan3A_28 to %scan3A_30 step %scan3A_31  : i32 {
        %mul3A_46 = arith.constant 1 : i32
        %mul3A_47 = arith.muli %scan3A_45, %mul3A_46 : i32
        %add3A_48 = arith.constant 0 : i32
        %add3A_49 = arith.addi %add3A_48, %mul3A_47 : i32
        %jit3A = arith.constant 2 : i32
        %eq3A = arith.constant 0 : i32
        %eq3A_50 = arith.cmpi eq, %jit3A, %eq3A : i32
        %jit3A_51 = arith.constant 1 : i32
        %select_n3A = arith.select %eq3A_50, %jit3A_51, %jit3A : i32
        %rem3A = arith.remsi %add3A_49, %select_n3A : i32
        %ne3A = arith.constant 0 : i32
        %ne3A_52 = arith.cmpi ne, %rem3A, %ne3A : i32
        %lt3A = arith.constant 0 : i32
        %lt3A_53 = arith.cmpi slt, %rem3A, %lt3A : i32
        %lt3A_54 = arith.constant 0 : i32
        %lt3A_55 = arith.cmpi slt, %select_n3A, %lt3A_54 : i32
        %ne3A_56 = arith.xori %lt3A_53, %lt3A_55 : i1
        %and3A = arith.andi %ne3A_56, %ne3A_52 : i1
        %add3A_57 = arith.addi %rem3A, %select_n3A : i32
        %select_n3A_58 = arith.select %and3A, %add3A_57, %rem3A : i32
        %eq3A_59 = arith.constant 0 : i32
        %eq3A_60 = arith.cmpi eq, %select_n3A_58, %eq3A_59 : i32
        %convert_element_type3A = arith.extui %eq3A_60 : i1 to i32
        %cond3A = arith.constant 0 : i32
        %cond3A_61 = arith.cmpi ne, %convert_element_type3A, %cond3A : i32
        scf.if %cond3A_61 {
          %add3A_66 = arith.constant 1 : i32
          %add3A_67 = arith.addi %add3A_49, %add3A_66 : i32
          %dma_start3A_68 = arith.constant 0 : i32
          %dma_start3A_69 = tpu.memref_slice %arg10[%add3A_67, %dma_start3A_68] : memref<8x128xi32, #tpu.memory_space<vmem>> -> memref<1x128xi32, #tpu.memory_space<vmem>>
          %dma_start3A_70 = tpu.memref_squeeze %dma_start3A_69 : memref<1x128xi32, #tpu.memory_space<vmem>> -> memref<128xi32, #tpu.memory_space<vmem>>
          %dma_start3A_71 = arith.constant 0 : i32
          %dma_start3A_72 = arith.constant 0 : i32
          %dma_start3A_73 = tpu.memref_slice %arg2[%dma_start3A_71, %dma_start3A_72] : memref<10240x64xf32, #tpu.memory_space<hbm>> -> memref<10240x64xf32, #tpu.memory_space<hbm>>
          tpu.enqueue_indirect_dma source(%dma_start3A_73 : memref<10240x64xf32, #tpu.memory_space<hbm>>) target(%arg13 : memref<128x64xf32, #tpu.memory_space<vmem>>) offsets(%dma_start3A_70 : memref<128xi32, #tpu.memory_space<vmem>>) semaphore(%arg17 : memref<!tpu.dma_semaphore, #tpu.memory_space<semaphore_mem>>)
          %dma_wait3A_74 = arith.constant 0 : i32
          %dma_wait3A_75 = tpu.memref_slice %arg10[%add3A_49, %dma_wait3A_74] : memref<8x128xi32, #tpu.memory_space<vmem>> -> memref<1x128xi32, #tpu.memory_space<vmem>>
          %dma_wait3A_76 = tpu.memref_squeeze %dma_wait3A_75 : memref<1x128xi32, #tpu.memory_space<vmem>> -> memref<128xi32, #tpu.memory_space<vmem>>
          %dma_wait3A_77 = arith.constant 0 : i32
          %dma_wait3A_78 = arith.constant 0 : i32
          %dma_wait3A_79 = tpu.memref_slice %arg2[%dma_wait3A_77, %dma_wait3A_78] : memref<10240x64xf32, #tpu.memory_space<hbm>> -> memref<10240x64xf32, #tpu.memory_space<hbm>>
          tpu.wait_indirect_dma semaphore(%arg16 : memref<!tpu.dma_semaphore, #tpu.memory_space<semaphore_mem>>) src(%dma_wait3A_79 : memref<10240x64xf32, #tpu.memory_space<hbm>>) dst(%arg12 : memref<128x64xf32, #tpu.memory_space<vmem>>)
          %scan3A_80 = arith.constant 0 : i32
          %scan3A_81 = arith.constant 128 : i32
          %scan3A_82 = arith.addi %scan3A_80, %scan3A_81 : i32
          %scan3A_83 = arith.constant 1 : i32
          scf.for %scan3A_85 = %scan3A_80 to %scan3A_82 step %scan3A_83  : i32 {
            %mul3A_86 = arith.constant 1 : i32
            %mul3A_87 = arith.muli %scan3A_85, %mul3A_86 : i32
            %add3A_88 = arith.constant 0 : i32
            %add3A_89 = arith.addi %add3A_88, %mul3A_87 : i32
            %get3A = arith.index_cast %add3A_89 : i32 to index
            %get3A_90 = arith.constant 0 : index
            %get3A_91 = tpu.vector_load %arg12[%get3A, %get3A_90] {strides = array<i32>} : memref<128x64xf32, #tpu.memory_space<vmem>>, vector<16xf32>,
            %bitcast3A = vector.bitcast %get3A_91 : vector<16xf32> to vector<16xi32>
            %shift_left3A = arith.constant 16 : i32
            %shift_left3A_92 = vector.broadcast %shift_left3A : i32 to vector<16xi32>
            %shift_left3A_93 = arith.shli %bitcast3A, %shift_left3A_92 : vector<16xi32>
            %bitcast3A_94 = vector.bitcast %shift_left3A_93 : vector<16xi32> to vector<16xf32>
            %swap3A = arith.index_cast %add3A_89 : i32 to index
            %swap3A_95 = arith.constant 0 : index
            %swap3A_96 = tpu.vector_load %arg14[%swap3A, %swap3A_95] {strides = array<i32>} : memref<128x128xf32, #tpu.memory_space<vmem>>, vector<16xf32>,
            tpu.vector_store %arg14[%swap3A, %swap3A_95], %bitcast3A_94 {strides = array<i32>} : memref<128x128xf32, #tpu.memory_space<vmem>>, vector<16xf32>,
            %and3A_97 = arith.andi %bitcast3A, %broadcast_in_dim3A_5 : vector<16xi32>
            %bitcast3A_98 = vector.bitcast %and3A_97 : vector<16xi32> to vector<16xf32>
            %swap3A_99 = arith.index_cast %add3A_89 : i32 to index
            %swap3A_100 = arith.constant 64 : index
            %swap3A_101 = tpu.vector_load %arg14[%swap3A_99, %swap3A_100] {strides = array<i32>} : memref<128x128xf32, #tpu.memory_space<vmem>>, vector<16xf32>,
            tpu.vector_store %arg14[%swap3A_99, %swap3A_100], %bitcast3A_98 {strides = array<i32>} : memref<128x128xf32, #tpu.memory_space<vmem>>, vector<16xf32>,
            %get3A_102 = arith.index_cast %add3A_89 : i32 to index
            %get3A_103 = arith.constant 16 : index
            %get3A_104 = tpu.vector_load %arg12[%get3A_102, %get3A_103] {strides = array<i32>} : memref<128x64xf32, #tpu.memory_space<vmem>>, vector<16xf32>,
            %bitcast3A_105 = vector.bitcast %get3A_104 : vector<16xf32> to vector<16xi32>
            %shift_left3A_106 = arith.constant 16 : i32
            %shift_left3A_107 = vector.broadcast %shift_left3A_106 : i32 to vector<16xi32>
            %shift_left3A_108 = arith.shli %bitcast3A_105, %shift_left3A_107 : vector<16xi32>
            %bitcast3A_109 = vector.bitcast %shift_left3A_108 : vector<16xi32> to vector<16xf32>
            %swap3A_110 = arith.index_cast %add3A_89 : i32 to index
            %swap3A_111 = arith.constant 16 : index
            %swap3A_112 = tpu.vector_load %arg14[%swap3A_110, %swap3A_111] {strides = array<i32>} : memref<128x128xf32, #tpu.memory_space<vmem>>, vector<16xf32>,
            tpu.vector_store %arg14[%swap3A_110, %swap3A_111], %bitcast3A_109 {strides = array<i32>} : memref<128x128xf32, #tpu.memory_space<vmem>>, vector<16xf32>,
            %and3A_113 = arith.andi %bitcast3A_105, %broadcast_in_dim3A_5 : vector<16xi32>
            %bitcast3A_114 = vector.bitcast %and3A_113 : vector<16xi32> to vector<16xf32>
            %swap3A_115 = arith.index_cast %add3A_89 : i32 to index
            %swap3A_116 = arith.constant 80 : index
            %swap3A_117 = tpu.vector_load %arg14[%swap3A_115, %swap3A_116] {strides = array<i32>} : memref<128x128xf32, #tpu.memory_space<vmem>>, vector<16xf32>,
            tpu.vector_store %arg14[%swap3A_115, %swap3A_116], %bitcast3A_114 {strides = array<i32>} : memref<128x128xf32, #tpu.memory_space<vmem>>, vector<16xf32>,
            %get3A_118 = arith.index_cast %add3A_89 : i32 to index
            %get3A_119 = arith.constant 32 : index
            %get3A_120 = tpu.vector_load %arg12[%get3A_118, %get3A_119] {strides = array<i32>} : memref<128x64xf32, #tpu.memory_space<vmem>>, vector<16xf32>,
            %bitcast3A_121 = vector.bitcast %get3A_120 : vector<16xf32> to vector<16xi32>
            %shift_left3A_122 = arith.constant 16 : i32
            %shift_left3A_123 = vector.broadcast %shift_left3A_122 : i32 to vector<16xi32>
            %shift_left3A_124 = arith.shli %bitcast3A_121, %shift_left3A_123 : vector<16xi32>
            %bitcast3A_125 = vector.bitcast %shift_left3A_124 : vector<16xi32> to vector<16xf32>
            %swap3A_126 = arith.index_cast %add3A_89 : i32 to index
            %swap3A_127 = arith.constant 32 : index
            %swap3A_128 = tpu.vector_load %arg14[%swap3A_126, %swap3A_127] {strides = array<i32>} : memref<128x128xf32, #tpu.memory_space<vmem>>, vector<16xf32>,
            tpu.vector_store %arg14[%swap3A_126, %swap3A_127], %bitcast3A_125 {strides = array<i32>} : memref<128x128xf32, #tpu.memory_space<vmem>>, vector<16xf32>,
            %and3A_129 = arith.andi %bitcast3A_121, %broadcast_in_dim3A_5 : vector<16xi32>
            %bitcast3A_130 = vector.bitcast %and3A_129 : vector<16xi32> to vector<16xf32>
            %swap3A_131 = arith.index_cast %add3A_89 : i32 to index
            %swap3A_132 = arith.constant 96 : index
            %swap3A_133 = tpu.vector_load %arg14[%swap3A_131, %swap3A_132] {strides = array<i32>} : memref<128x128xf32, #tpu.memory_space<vmem>>, vector<16xf32>,
            tpu.vector_store %arg14[%swap3A_131, %swap3A_132], %bitcast3A_130 {strides = array<i32>} : memref<128x128xf32, #tpu.memory_space<vmem>>, vector<16xf32>,
            %get3A_134 = arith.index_cast %add3A_89 : i32 to index
            %get3A_135 = arith.constant 48 : index
            %get3A_136 = tpu.vector_load %arg12[%get3A_134, %get3A_135] {strides = array<i32>} : memref<128x64xf32, #tpu.memory_space<vmem>>, vector<16xf32>,
            %bitcast3A_137 = vector.bitcast %get3A_136 : vector<16xf32> to vector<16xi32>
            %shift_left3A_138 = arith.constant 16 : i32
            %shift_left3A_139 = vector.broadcast %shift_left3A_138 : i32 to vector<16xi32>
            %shift_left3A_140 = arith.shli %bitcast3A_137, %shift_left3A_139 : vector<16xi32>
            %bitcast3A_141 = vector.bitcast %shift_left3A_140 : vector<16xi32> to vector<16xf32>
            %swap3A_142 = arith.index_cast %add3A_89 : i32 to index
            %swap3A_143 = arith.constant 48 : index
            %swap3A_144 = tpu.vector_load %arg14[%swap3A_142, %swap3A_143] {strides = array<i32>} : memref<128x128xf32, #tpu.memory_space<vmem>>, vector<16xf32>,
            tpu.vector_store %arg14[%swap3A_142, %swap3A_143], %bitcast3A_141 {strides = array<i32>} : memref<128x128xf32, #tpu.memory_space<vmem>>, vector<16xf32>,
            %and3A_145 = arith.andi %bitcast3A_137, %broadcast_in_dim3A_5 : vector<16xi32>
            %bitcast3A_146 = vector.bitcast %and3A_145 : vector<16xi32> to vector<16xf32>
            %swap3A_147 = arith.index_cast %add3A_89 : i32 to index
            %swap3A_148 = arith.constant 112 : index
            %swap3A_149 = tpu.vector_load %arg14[%swap3A_147, %swap3A_148] {strides = array<i32>} : memref<128x128xf32, #tpu.memory_space<vmem>>, vector<16xf32>,
            tpu.vector_store %arg14[%swap3A_147, %swap3A_148], %bitcast3A_146 {strides = array<i32>} : memref<128x128xf32, #tpu.memory_space<vmem>>, vector<16xf32>,
          }
          %scan3A_84 = arith.constant 128 : i32
          "tpu.region"() ({
            %run_scoped3A_85 = tpu.sem_alloc : memref<!tpu.dma_semaphore, #tpu.memory_space<semaphore_mem>>
            %dma_start3A_86 = arith.constant 0 : i32
            %dma_start3A_87 = tpu.memref_slice %arg11[%add3A_49, %dma_start3A_86] : memref<8x128xi32, #tpu.memory_space<vmem>> -> memref<1x128xi32, #tpu.memory_space<vmem>>
            %dma_start3A_88 = tpu.memref_squeeze %dma_start3A_87 : memref<1x128xi32, #tpu.memory_space<vmem>> -> memref<128xi32, #tpu.memory_space<vmem>>
            %dma_start3A_89 = arith.constant 0 : i32
            %dma_start3A_90 = arith.constant 0 : i32
            %dma_start3A_91 = tpu.memref_slice %arg15[%dma_start3A_89, %dma_start3A_90] : memref<10240x128xf32, #tpu.memory_space<vmem_shared>> -> memref<10240x128xf32, #tpu.memory_space<vmem_shared>>
            tpu.enqueue_indirect_dma source(%arg14 : memref<128x128xf32, #tpu.memory_space<vmem>>) target(%dma_start3A_91 : memref<10240x128xf32, #tpu.memory_space<vmem_shared>>) offsets(%dma_start3A_88 : memref<128xi32, #tpu.memory_space<vmem>>) semaphore(%run_scoped3A_85 : memref<!tpu.dma_semaphore, #tpu.memory_space<semaphore_mem>>) {add = true}
            %dma_wait3A_92 = arith.constant 0 : i32
            %dma_wait3A_93 = tpu.memref_slice %arg11[%add3A_49, %dma_wait3A_92] : memref<8x128xi32, #tpu.memory_space<vmem>> -> memref<1x128xi32, #tpu.memory_space<vmem>>
            %dma_wait3A_94 = tpu.memref_squeeze %dma_wait3A_93 : memref<1x128xi32, #tpu.memory_space<vmem>> -> memref<128xi32, #tpu.memory_space<vmem>>
            %dma_wait3A_95 = arith.constant 0 : i32
            %dma_wait3A_96 = arith.constant 0 : i32
            %dma_wait3A_97 = tpu.memref_slice %arg15[%dma_wait3A_95, %dma_wait3A_96] : memref<10240x128xf32, #tpu.memory_space<vmem_shared>> -> memref<10240x128xf32, #tpu.memory_space<vmem_shared>>
            tpu.wait_indirect_dma semaphore(%run_scoped3A_85 : memref<!tpu.dma_semaphore, #tpu.memory_space<semaphore_mem>>) src(%arg14 : memref<128x128xf32, #tpu.memory_space<vmem>>) dst(%dma_wait3A_97 : memref<10240x128xf32, #tpu.memory_space<vmem_shared>>)
            tpu.yield
          }) : () -> ()
        } else {
        }
        %not3A = arith.constant true
        %not3A_62 = arith.xori %eq3A_60, %not3A : i1
        %convert_element_type3A_63 = arith.extui %not3A_62 : i1 to i32
        %cond3A_64 = arith.constant 0 : i32
        %cond3A_65 = arith.cmpi ne, %convert_element_type3A_63, %cond3A_64 : i32
        scf.if %cond3A_65 {
          %add3A_66 = arith.constant 1 : i32
          %add3A_67 = arith.addi %add3A_49, %add3A_66 : i32
          %dma_start3A_68 = arith.constant 0 : i32
          %dma_start3A_69 = tpu.memref_slice %arg10[%add3A_67, %dma_start3A_68] : memref<8x128xi32, #tpu.memory_space<vmem>> -> memref<1x128xi32, #tpu.memory_space<vmem>>
          %dma_start3A_70 = tpu.memref_squeeze %dma_start3A_69 : memref<1x128xi32, #tpu.memory_space<vmem>> -> memref<128xi32, #tpu.memory_space<vmem>>
          %dma_start3A_71 = arith.constant 0 : i32
          %dma_start3A_72 = arith.constant 0 : i32
          %dma_start3A_73 = tpu.memref_slice %arg2[%dma_start3A_71, %dma_start3A_72] : memref<10240x64xf32, #tpu.memory_space<hbm>> -> memref<10240x64xf32, #tpu.memory_space<hbm>>
          tpu.enqueue_indirect_dma source(%dma_start3A_73 : memref<10240x64xf32, #tpu.memory_space<hbm>>) target(%arg12 : memref<128x64xf32, #tpu.memory_space<vmem>>) offsets(%dma_start3A_70 : memref<128xi32, #tpu.memory_space<vmem>>) semaphore(%arg16 : memref<!tpu.dma_semaphore, #tpu.memory_space<semaphore_mem>>)
          %dma_wait3A_74 = arith.constant 0 : i32
          %dma_wait3A_75 = tpu.memref_slice %arg10[%add3A_49, %dma_wait3A_74] : memref<8x128xi32, #tpu.memory_space<vmem>> -> memref<1x128xi32, #tpu.memory_space<vmem>>
          %dma_wait3A_76 = tpu.memref_squeeze %dma_wait3A_75 : memref<1x128xi32, #tpu.memory_space<vmem>> -> memref<128xi32, #tpu.memory_space<vmem>>
          %dma_wait3A_77 = arith.constant 0 : i32
          %dma_wait3A_78 = arith.constant 0 : i32
          %dma_wait3A_79 = tpu.memref_slice %arg2[%dma_wait3A_77, %dma_wait3A_78] : memref<10240x64xf32, #tpu.memory_space<hbm>> -> memref<10240x64xf32, #tpu.memory_space<hbm>>
          tpu.wait_indirect_dma semaphore(%arg17 : memref<!tpu.dma_semaphore, #tpu.memory_space<semaphore_mem>>) src(%dma_wait3A_79 : memref<10240x64xf32, #tpu.memory_space<hbm>>) dst(%arg13 : memref<128x64xf32, #tpu.memory_space<vmem>>)
          %scan3A_80 = arith.constant 0 : i32
          %scan3A_81 = arith.constant 128 : i32
          %scan3A_82 = arith.addi %scan3A_80, %scan3A_81 : i32
          %scan3A_83 = arith.constant 1 : i32
          scf.for %scan3A_85 = %scan3A_80 to %scan3A_82 step %scan3A_83  : i32 {
            %mul3A_86 = arith.constant 1 : i32
            %mul3A_87 = arith.muli %scan3A_85, %mul3A_86 : i32
            %add3A_88 = arith.constant 0 : i32
            %add3A_89 = arith.addi %add3A_88, %mul3A_87 : i32
            %get3A = arith.index_cast %add3A_89 : i32 to index
            %get3A_90 = arith.constant 0 : index
            %get3A_91 = tpu.vector_load %arg13[%get3A, %get3A_90] {strides = array<i32>} : memref<128x64xf32, #tpu.memory_space<vmem>>, vector<16xf32>,
            %bitcast3A = vector.bitcast %get3A_91 : vector<16xf32> to vector<16xi32>
            %shift_left3A = arith.constant 16 : i32
            %shift_left3A_92 = vector.broadcast %shift_left3A : i32 to vector<16xi32>
            %shift_left3A_93 = arith.shli %bitcast3A, %shift_left3A_92 : vector<16xi32>
            %bitcast3A_94 = vector.bitcast %shift_left3A_93 : vector<16xi32> to vector<16xf32>
            %swap3A = arith.index_cast %add3A_89 : i32 to index
            %swap3A_95 = arith.constant 0 : index
            %swap3A_96 = tpu.vector_load %arg14[%swap3A, %swap3A_95] {strides = array<i32>} : memref<128x128xf32, #tpu.memory_space<vmem>>, vector<16xf32>,
            tpu.vector_store %arg14[%swap3A, %swap3A_95], %bitcast3A_94 {strides = array<i32>} : memref<128x128xf32, #tpu.memory_space<vmem>>, vector<16xf32>,
            %and3A_97 = arith.andi %bitcast3A, %broadcast_in_dim3A_5 : vector<16xi32>
            %bitcast3A_98 = vector.bitcast %and3A_97 : vector<16xi32> to vector<16xf32>
            %swap3A_99 = arith.index_cast %add3A_89 : i32 to index
            %swap3A_100 = arith.constant 64 : index
            %swap3A_101 = tpu.vector_load %arg14[%swap3A_99, %swap3A_100] {strides = array<i32>} : memref<128x128xf32, #tpu.memory_space<vmem>>, vector<16xf32>,
            tpu.vector_store %arg14[%swap3A_99, %swap3A_100], %bitcast3A_98 {strides = array<i32>} : memref<128x128xf32, #tpu.memory_space<vmem>>, vector<16xf32>,
            %get3A_102 = arith.index_cast %add3A_89 : i32 to index
            %get3A_103 = arith.constant 16 : index
            %get3A_104 = tpu.vector_load %arg13[%get3A_102, %get3A_103] {strides = array<i32>} : memref<128x64xf32, #tpu.memory_space<vmem>>, vector<16xf32>,
            %bitcast3A_105 = vector.bitcast %get3A_104 : vector<16xf32> to vector<16xi32>
            %shift_left3A_106 = arith.constant 16 : i32
            %shift_left3A_107 = vector.broadcast %shift_left3A_106 : i32 to vector<16xi32>
            %shift_left3A_108 = arith.shli %bitcast3A_105, %shift_left3A_107 : vector<16xi32>
            %bitcast3A_109 = vector.bitcast %shift_left3A_108 : vector<16xi32> to vector<16xf32>
            %swap3A_110 = arith.index_cast %add3A_89 : i32 to index
            %swap3A_111 = arith.constant 16 : index
            %swap3A_112 = tpu.vector_load %arg14[%swap3A_110, %swap3A_111] {strides = array<i32>} : memref<128x128xf32, #tpu.memory_space<vmem>>, vector<16xf32>,
            tpu.vector_store %arg14[%swap3A_110, %swap3A_111], %bitcast3A_109 {strides = array<i32>} : memref<128x128xf32, #tpu.memory_space<vmem>>, vector<16xf32>,
            %and3A_113 = arith.andi %bitcast3A_105, %broadcast_in_dim3A_5 : vector<16xi32>
            %bitcast3A_114 = vector.bitcast %and3A_113 : vector<16xi32> to vector<16xf32>
            %swap3A_115 = arith.index_cast %add3A_89 : i32 to index
            %swap3A_116 = arith.constant 80 : index
            %swap3A_117 = tpu.vector_load %arg14[%swap3A_115, %swap3A_116] {strides = array<i32>} : memref<128x128xf32, #tpu.memory_space<vmem>>, vector<16xf32>,
            tpu.vector_store %arg14[%swap3A_115, %swap3A_116], %bitcast3A_114 {strides = array<i32>} : memref<128x128xf32, #tpu.memory_space<vmem>>, vector<16xf32>,
            %get3A_118 = arith.index_cast %add3A_89 : i32 to index
            %get3A_119 = arith.constant 32 : index
            %get3A_120 = tpu.vector_load %arg13[%get3A_118, %get3A_119] {strides = array<i32>} : memref<128x64xf32, #tpu.memory_space<vmem>>, vector<16xf32>,
            %bitcast3A_121 = vector.bitcast %get3A_120 : vector<16xf32> to vector<16xi32>
            %shift_left3A_122 = arith.constant 16 : i32
            %shift_left3A_123 = vector.broadcast %shift_left3A_122 : i32 to vector<16xi32>
            %shift_left3A_124 = arith.shli %bitcast3A_121, %shift_left3A_123 : vector<16xi32>
            %bitcast3A_125 = vector.bitcast %shift_left3A_124 : vector<16xi32> to vector<16xf32>
            %swap3A_126 = arith.index_cast %add3A_89 : i32 to index
            %swap3A_127 = arith.constant 32 : index
            %swap3A_128 = tpu.vector_load %arg14[%swap3A_126, %swap3A_127] {strides = array<i32>} : memref<128x128xf32, #tpu.memory_space<vmem>>, vector<16xf32>,
            tpu.vector_store %arg14[%swap3A_126, %swap3A_127], %bitcast3A_125 {strides = array<i32>} : memref<128x128xf32, #tpu.memory_space<vmem>>, vector<16xf32>,
            %and3A_129 = arith.andi %bitcast3A_121, %broadcast_in_dim3A_5 : vector<16xi32>
            %bitcast3A_130 = vector.bitcast %and3A_129 : vector<16xi32> to vector<16xf32>
            %swap3A_131 = arith.index_cast %add3A_89 : i32 to index
            %swap3A_132 = arith.constant 96 : index
            %swap3A_133 = tpu.vector_load %arg14[%swap3A_131, %swap3A_132] {strides = array<i32>} : memref<128x128xf32, #tpu.memory_space<vmem>>, vector<16xf32>,
            tpu.vector_store %arg14[%swap3A_131, %swap3A_132], %bitcast3A_130 {strides = array<i32>} : memref<128x128xf32, #tpu.memory_space<vmem>>, vector<16xf32>,
            %get3A_134 = arith.index_cast %add3A_89 : i32 to index
            %get3A_135 = arith.constant 48 : index
            %get3A_136 = tpu.vector_load %arg13[%get3A_134, %get3A_135] {strides = array<i32>} : memref<128x64xf32, #tpu.memory_space<vmem>>, vector<16xf32>,
            %bitcast3A_137 = vector.bitcast %get3A_136 : vector<16xf32> to vector<16xi32>
            %shift_left3A_138 = arith.constant 16 : i32
            %shift_left3A_139 = vector.broadcast %shift_left3A_138 : i32 to vector<16xi32>
            %shift_left3A_140 = arith.shli %bitcast3A_137, %shift_left3A_139 : vector<16xi32>
            %bitcast3A_141 = vector.bitcast %shift_left3A_140 : vector<16xi32> to vector<16xf32>
            %swap3A_142 = arith.index_cast %add3A_89 : i32 to index
            %swap3A_143 = arith.constant 48 : index
            %swap3A_144 = tpu.vector_load %arg14[%swap3A_142, %swap3A_143] {strides = array<i32>} : memref<128x128xf32, #tpu.memory_space<vmem>>, vector<16xf32>,
            tpu.vector_store %arg14[%swap3A_142, %swap3A_143], %bitcast3A_141 {strides = array<i32>} : memref<128x128xf32, #tpu.memory_space<vmem>>, vector<16xf32>,
            %and3A_145 = arith.andi %bitcast3A_137, %broadcast_in_dim3A_5 : vector<16xi32>
            %bitcast3A_146 = vector.bitcast %and3A_145 : vector<16xi32> to vector<16xf32>
            %swap3A_147 = arith.index_cast %add3A_89 : i32 to index
            %swap3A_148 = arith.constant 112 : index
            %swap3A_149 = tpu.vector_load %arg14[%swap3A_147, %swap3A_148] {strides = array<i32>} : memref<128x128xf32, #tpu.memory_space<vmem>>, vector<16xf32>,
            tpu.vector_store %arg14[%swap3A_147, %swap3A_148], %bitcast3A_146 {strides = array<i32>} : memref<128x128xf32, #tpu.memory_space<vmem>>, vector<16xf32>,
          }
          %scan3A_84 = arith.constant 128 : i32
          "tpu.region"() ({
            %run_scoped3A_85 = tpu.sem_alloc : memref<!tpu.dma_semaphore, #tpu.memory_space<semaphore_mem>>
            %dma_start3A_86 = arith.constant 0 : i32
            %dma_start3A_87 = tpu.memref_slice %arg11[%add3A_49, %dma_start3A_86] : memref<8x128xi32, #tpu.memory_space<vmem>> -> memref<1x128xi32, #tpu.memory_space<vmem>>
            %dma_start3A_88 = tpu.memref_squeeze %dma_start3A_87 : memref<1x128xi32, #tpu.memory_space<vmem>> -> memref<128xi32, #tpu.memory_space<vmem>>
            %dma_start3A_89 = arith.constant 0 : i32
            %dma_start3A_90 = arith.constant 0 : i32
            %dma_start3A_91 = tpu.memref_slice %arg15[%dma_start3A_89, %dma_start3A_90] : memref<10240x128xf32, #tpu.memory_space<vmem_shared>> -> memref<10240x128xf32, #tpu.memory_space<vmem_shared>>
            tpu.enqueue_indirect_dma source(%arg14 : memref<128x128xf32, #tpu.memory_space<vmem>>) target(%dma_start3A_91 : memref<10240x128xf32, #tpu.memory_space<vmem_shared>>) offsets(%dma_start3A_88 : memref<128xi32, #tpu.memory_space<vmem>>) semaphore(%run_scoped3A_85 : memref<!tpu.dma_semaphore, #tpu.memory_space<semaphore_mem>>) {add = true}
            %dma_wait3A_92 = arith.constant 0 : i32
            %dma_wait3A_93 = tpu.memref_slice %arg11[%add3A_49, %dma_wait3A_92] : memref<8x128xi32, #tpu.memory_space<vmem>> -> memref<1x128xi32, #tpu.memory_space<vmem>>
            %dma_wait3A_94 = tpu.memref_squeeze %dma_wait3A_93 : memref<1x128xi32, #tpu.memory_space<vmem>> -> memref<128xi32, #tpu.memory_space<vmem>>
            %dma_wait3A_95 = arith.constant 0 : i32
            %dma_wait3A_96 = arith.constant 0 : i32
            %dma_wait3A_97 = tpu.memref_slice %arg15[%dma_wait3A_95, %dma_wait3A_96] : memref<10240x128xf32, #tpu.memory_space<vmem_shared>> -> memref<10240x128xf32, #tpu.memory_space<vmem_shared>>
            tpu.wait_indirect_dma semaphore(%run_scoped3A_85 : memref<!tpu.dma_semaphore, #tpu.memory_space<semaphore_mem>>) src(%arg14 : memref<128x128xf32, #tpu.memory_space<vmem>>) dst(%dma_wait3A_97 : memref<10240x128xf32, #tpu.memory_space<vmem_shared>>)
            tpu.yield
          }) : () -> ()
        } else {
        }
        "tpu.region"() ({
          %run_scoped3A_66 = tpu.sem_alloc : memref<!tpu.dma_semaphore, #tpu.memory_space<semaphore_mem>>
          %dma_start3A_67 = arith.constant 0 : i32
          %dma_start3A_68 = tpu.memref_slice %arg11[%add3A_49, %dma_start3A_67] : memref<8x128xi32, #tpu.memory_space<vmem>> -> memref<1x128xi32, #tpu.memory_space<vmem>>
          %dma_start3A_69 = tpu.memref_squeeze %dma_start3A_68 : memref<1x128xi32, #tpu.memory_space<vmem>> -> memref<128xi32, #tpu.memory_space<vmem>>
          %dma_start3A_70 = arith.constant 0 : i32
          %dma_start3A_71 = arith.constant 0 : i32
          %dma_start3A_72 = tpu.memref_slice %arg19[%dma_start3A_70, %dma_start3A_71] : memref<10240x16xf32, #tpu.memory_space<vmem_shared>> -> memref<10240x16xf32, #tpu.memory_space<vmem_shared>>
          tpu.enqueue_indirect_dma source(%arg18 : memref<128x16xf32, #tpu.memory_space<vmem>>) target(%dma_start3A_72 : memref<10240x16xf32, #tpu.memory_space<vmem_shared>>) offsets(%dma_start3A_69 : memref<128xi32, #tpu.memory_space<vmem>>) semaphore(%run_scoped3A_66 : memref<!tpu.dma_semaphore, #tpu.memory_space<semaphore_mem>>) {add = true}
          %dma_wait3A_73 = arith.constant 0 : i32
          %dma_wait3A_74 = tpu.memref_slice %arg11[%add3A_49, %dma_wait3A_73] : memref<8x128xi32, #tpu.memory_space<vmem>> -> memref<1x128xi32, #tpu.memory_space<vmem>>
          %dma_wait3A_75 = tpu.memref_squeeze %dma_wait3A_74 : memref<1x128xi32, #tpu.memory_space<vmem>> -> memref<128xi32, #tpu.memory_space<vmem>>
          %dma_wait3A_76 = arith.constant 0 : i32
          %dma_wait3A_77 = arith.constant 0 : i32
          %dma_wait3A_78 = tpu.memref_slice %arg19[%dma_wait3A_76, %dma_wait3A_77] : memref<10240x16xf32, #tpu.memory_space<vmem_shared>> -> memref<10240x16xf32, #tpu.memory_space<vmem_shared>>
          tpu.wait_indirect_dma semaphore(%run_scoped3A_66 : memref<!tpu.dma_semaphore, #tpu.memory_space<semaphore_mem>>) src(%arg18 : memref<128x16xf32, #tpu.memory_space<vmem>>) dst(%dma_wait3A_78 : memref<10240x16xf32, #tpu.memory_space<vmem_shared>>)
          tpu.yield
        }) : () -> ()
      }
      %scan3A_32 = arith.constant 7 : i32
      %dma_wait3A = arith.constant 7 : i32
      %dma_wait3A_33 = arith.constant 0 : i32
      %dma_wait3A_34 = tpu.memref_slice %arg10[%dma_wait3A, %dma_wait3A_33] : memref<8x128xi32, #tpu.memory_space<vmem>> -> memref<1x128xi32, #tpu.memory_space<vmem>>
      %dma_wait3A_35 = tpu.memref_squeeze %dma_wait3A_34 : memref<1x128xi32, #tpu.memory_space<vmem>> -> memref<128xi32, #tpu.memory_space<vmem>>
      %dma_wait3A_36 = arith.constant 0 : i32
      %dma_wait3A_37 = arith.constant 0 : i32
      %dma_wait3A_38 = tpu.memref_slice %arg2[%dma_wait3A_36, %dma_wait3A_37] : memref<10240x64xf32, #tpu.memory_space<hbm>> -> memref<10240x64xf32, #tpu.memory_space<hbm>>
      tpu.wait_indirect_dma semaphore(%arg17 : memref<!tpu.dma_semaphore, #tpu.memory_space<semaphore_mem>>) src(%dma_wait3A_38 : memref<10240x64xf32, #tpu.memory_space<hbm>>) dst(%arg13 : memref<128x64xf32, #tpu.memory_space<vmem>>)
      %scan3A_39 = arith.constant 0 : i32
      %scan3A_40 = arith.constant 128 : i32
      %scan3A_41 = arith.addi %scan3A_39, %scan3A_40 : i32
      %scan3A_42 = arith.constant 1 : i32
      scf.for %scan3A_45 = %scan3A_39 to %scan3A_41 step %scan3A_42  : i32 {
        %mul3A_46 = arith.constant 1 : i32
        %mul3A_47 = arith.muli %scan3A_45, %mul3A_46 : i32
        %add3A_48 = arith.constant 0 : i32
        %add3A_49 = arith.addi %add3A_48, %mul3A_47 : i32
        %get3A = arith.index_cast %add3A_49 : i32 to index
        %get3A_50 = arith.constant 0 : index
        %get3A_51 = tpu.vector_load %arg13[%get3A, %get3A_50] {strides = array<i32>} : memref<128x64xf32, #tpu.memory_space<vmem>>, vector<16xf32>,
        %bitcast3A = vector.bitcast %get3A_51 : vector<16xf32> to vector<16xi32>
        %shift_left3A = arith.constant 16 : i32
        %shift_left3A_52 = vector.broadcast %shift_left3A : i32 to vector<16xi32>
        %shift_left3A_53 = arith.shli %bitcast3A, %shift_left3A_52 : vector<16xi32>
        %bitcast3A_54 = vector.bitcast %shift_left3A_53 : vector<16xi32> to vector<16xf32>
        %swap3A = arith.index_cast %add3A_49 : i32 to index
        %swap3A_55 = arith.constant 0 : index
        %swap3A_56 = tpu.vector_load %arg14[%swap3A, %swap3A_55] {strides = array<i32>} : memref<128x128xf32, #tpu.memory_space<vmem>>, vector<16xf32>,
        tpu.vector_store %arg14[%swap3A, %swap3A_55], %bitcast3A_54 {strides = array<i32>} : memref<128x128xf32, #tpu.memory_space<vmem>>, vector<16xf32>,
        %and3A = arith.andi %bitcast3A, %broadcast_in_dim3A_5 : vector<16xi32>
        %bitcast3A_57 = vector.bitcast %and3A : vector<16xi32> to vector<16xf32>
        %swap3A_58 = arith.index_cast %add3A_49 : i32 to index
        %swap3A_59 = arith.constant 64 : index
        %swap3A_60 = tpu.vector_load %arg14[%swap3A_58, %swap3A_59] {strides = array<i32>} : memref<128x128xf32, #tpu.memory_space<vmem>>, vector<16xf32>,
        tpu.vector_store %arg14[%swap3A_58, %swap3A_59], %bitcast3A_57 {strides = array<i32>} : memref<128x128xf32, #tpu.memory_space<vmem>>, vector<16xf32>,
        %get3A_61 = arith.index_cast %add3A_49 : i32 to index
        %get3A_62 = arith.constant 16 : index
        %get3A_63 = tpu.vector_load %arg13[%get3A_61, %get3A_62] {strides = array<i32>} : memref<128x64xf32, #tpu.memory_space<vmem>>, vector<16xf32>,
        %bitcast3A_64 = vector.bitcast %get3A_63 : vector<16xf32> to vector<16xi32>
        %shift_left3A_65 = arith.constant 16 : i32
        %shift_left3A_66 = vector.broadcast %shift_left3A_65 : i32 to vector<16xi32>
        %shift_left3A_67 = arith.shli %bitcast3A_64, %shift_left3A_66 : vector<16xi32>
        %bitcast3A_68 = vector.bitcast %shift_left3A_67 : vector<16xi32> to vector<16xf32>
        %swap3A_69 = arith.index_cast %add3A_49 : i32 to index
        %swap3A_70 = arith.constant 16 : index
        %swap3A_71 = tpu.vector_load %arg14[%swap3A_69, %swap3A_70] {strides = array<i32>} : memref<128x128xf32, #tpu.memory_space<vmem>>, vector<16xf32>,
        tpu.vector_store %arg14[%swap3A_69, %swap3A_70], %bitcast3A_68 {strides = array<i32>} : memref<128x128xf32, #tpu.memory_space<vmem>>, vector<16xf32>,
        %and3A_72 = arith.andi %bitcast3A_64, %broadcast_in_dim3A_5 : vector<16xi32>
        %bitcast3A_73 = vector.bitcast %and3A_72 : vector<16xi32> to vector<16xf32>
        %swap3A_74 = arith.index_cast %add3A_49 : i32 to index
        %swap3A_75 = arith.constant 80 : index
        %swap3A_76 = tpu.vector_load %arg14[%swap3A_74, %swap3A_75] {strides = array<i32>} : memref<128x128xf32, #tpu.memory_space<vmem>>, vector<16xf32>,
        tpu.vector_store %arg14[%swap3A_74, %swap3A_75], %bitcast3A_73 {strides = array<i32>} : memref<128x128xf32, #tpu.memory_space<vmem>>, vector<16xf32>,
        %get3A_77 = arith.index_cast %add3A_49 : i32 to index
        %get3A_78 = arith.constant 32 : index
        %get3A_79 = tpu.vector_load %arg13[%get3A_77, %get3A_78] {strides = array<i32>} : memref<128x64xf32, #tpu.memory_space<vmem>>, vector<16xf32>,
        %bitcast3A_80 = vector.bitcast %get3A_79 : vector<16xf32> to vector<16xi32>
        %shift_left3A_81 = arith.constant 16 : i32
        %shift_left3A_82 = vector.broadcast %shift_left3A_81 : i32 to vector<16xi32>
        %shift_left3A_83 = arith.shli %bitcast3A_80, %shift_left3A_82 : vector<16xi32>
        %bitcast3A_84 = vector.bitcast %shift_left3A_83 : vector<16xi32> to vector<16xf32>
        %swap3A_85 = arith.index_cast %add3A_49 : i32 to index
        %swap3A_86 = arith.constant 32 : index
        %swap3A_87 = tpu.vector_load %arg14[%swap3A_85, %swap3A_86] {strides = array<i32>} : memref<128x128xf32, #tpu.memory_space<vmem>>, vector<16xf32>,
        tpu.vector_store %arg14[%swap3A_85, %swap3A_86], %bitcast3A_84 {strides = array<i32>} : memref<128x128xf32, #tpu.memory_space<vmem>>, vector<16xf32>,
        %and3A_88 = arith.andi %bitcast3A_80, %broadcast_in_dim3A_5 : vector<16xi32>
        %bitcast3A_89 = vector.bitcast %and3A_88 : vector<16xi32> to vector<16xf32>
        %swap3A_90 = arith.index_cast %add3A_49 : i32 to index
        %swap3A_91 = arith.constant 96 : index
        %swap3A_92 = tpu.vector_load %arg14[%swap3A_90, %swap3A_91] {strides = array<i32>} : memref<128x128xf32, #tpu.memory_space<vmem>>, vector<16xf32>,
        tpu.vector_store %arg14[%swap3A_90, %swap3A_91], %bitcast3A_89 {strides = array<i32>} : memref<128x128xf32, #tpu.memory_space<vmem>>, vector<16xf32>,
        %get3A_93 = arith.index_cast %add3A_49 : i32 to index
        %get3A_94 = arith.constant 48 : index
        %get3A_95 = tpu.vector_load %arg13[%get3A_93, %get3A_94] {strides = array<i32>} : memref<128x64xf32, #tpu.memory_space<vmem>>, vector<16xf32>,
        %bitcast3A_96 = vector.bitcast %get3A_95 : vector<16xf32> to vector<16xi32>
        %shift_left3A_97 = arith.constant 16 : i32
        %shift_left3A_98 = vector.broadcast %shift_left3A_97 : i32 to vector<16xi32>
        %shift_left3A_99 = arith.shli %bitcast3A_96, %shift_left3A_98 : vector<16xi32>
        %bitcast3A_100 = vector.bitcast %shift_left3A_99 : vector<16xi32> to vector<16xf32>
        %swap3A_101 = arith.index_cast %add3A_49 : i32 to index
        %swap3A_102 = arith.constant 48 : index
        %swap3A_103 = tpu.vector_load %arg14[%swap3A_101, %swap3A_102] {strides = array<i32>} : memref<128x128xf32, #tpu.memory_space<vmem>>, vector<16xf32>,
        tpu.vector_store %arg14[%swap3A_101, %swap3A_102], %bitcast3A_100 {strides = array<i32>} : memref<128x128xf32, #tpu.memory_space<vmem>>, vector<16xf32>,
        %and3A_104 = arith.andi %bitcast3A_96, %broadcast_in_dim3A_5 : vector<16xi32>
        %bitcast3A_105 = vector.bitcast %and3A_104 : vector<16xi32> to vector<16xf32>
        %swap3A_106 = arith.index_cast %add3A_49 : i32 to index
        %swap3A_107 = arith.constant 112 : index
        %swap3A_108 = tpu.vector_load %arg14[%swap3A_106, %swap3A_107] {strides = array<i32>} : memref<128x128xf32, #tpu.memory_space<vmem>>, vector<16xf32>,
        tpu.vector_store %arg14[%swap3A_106, %swap3A_107], %bitcast3A_105 {strides = array<i32>} : memref<128x128xf32, #tpu.memory_space<vmem>>, vector<16xf32>,
      }
      %scan3A_43 = arith.constant 128 : i32
      %run_scoped3A = arith.constant 7 : i32
      "tpu.region"() ({
        %run_scoped3A_45 = tpu.sem_alloc : memref<!tpu.dma_semaphore, #tpu.memory_space<semaphore_mem>>
        %dma_start3A_46 = arith.constant 0 : i32
        %dma_start3A_47 = tpu.memref_slice %arg11[%run_scoped3A, %dma_start3A_46] : memref<8x128xi32, #tpu.memory_space<vmem>> -> memref<1x128xi32, #tpu.memory_space<vmem>>
        %dma_start3A_48 = tpu.memref_squeeze %dma_start3A_47 : memref<1x128xi32, #tpu.memory_space<vmem>> -> memref<128xi32, #tpu.memory_space<vmem>>
        %dma_start3A_49 = arith.constant 0 : i32
        %dma_start3A_50 = arith.constant 0 : i32
        %dma_start3A_51 = tpu.memref_slice %arg15[%dma_start3A_49, %dma_start3A_50] : memref<10240x128xf32, #tpu.memory_space<vmem_shared>> -> memref<10240x128xf32, #tpu.memory_space<vmem_shared>>
        tpu.enqueue_indirect_dma source(%arg14 : memref<128x128xf32, #tpu.memory_space<vmem>>) target(%dma_start3A_51 : memref<10240x128xf32, #tpu.memory_space<vmem_shared>>) offsets(%dma_start3A_48 : memref<128xi32, #tpu.memory_space<vmem>>) semaphore(%run_scoped3A_45 : memref<!tpu.dma_semaphore, #tpu.memory_space<semaphore_mem>>) {add = true}
        %dma_wait3A_52 = arith.constant 0 : i32
        %dma_wait3A_53 = tpu.memref_slice %arg11[%run_scoped3A, %dma_wait3A_52] : memref<8x128xi32, #tpu.memory_space<vmem>> -> memref<1x128xi32, #tpu.memory_space<vmem>>
        %dma_wait3A_54 = tpu.memref_squeeze %dma_wait3A_53 : memref<1x128xi32, #tpu.memory_space<vmem>> -> memref<128xi32, #tpu.memory_space<vmem>>
        %dma_wait3A_55 = arith.constant 0 : i32
        %dma_wait3A_56 = arith.constant 0 : i32
        %dma_wait3A_57 = tpu.memref_slice %arg15[%dma_wait3A_55, %dma_wait3A_56] : memref<10240x128xf32, #tpu.memory_space<vmem_shared>> -> memref<10240x128xf32, #tpu.memory_space<vmem_shared>>
        tpu.wait_indirect_dma semaphore(%run_scoped3A_45 : memref<!tpu.dma_semaphore, #tpu.memory_space<semaphore_mem>>) src(%arg14 : memref<128x128xf32, #tpu.memory_space<vmem>>) dst(%dma_wait3A_57 : memref<10240x128xf32, #tpu.memory_space<vmem_shared>>)
        tpu.yield
      }) : () -> ()
      %run_scoped3A_44 = arith.constant 7 : i32
      "tpu.region"() ({
        %run_scoped3A_45 = tpu.sem_alloc : memref<!tpu.dma_semaphore, #tpu.memory_space<semaphore_mem>>
        %dma_start3A_46 = arith.constant 0 : i32
        %dma_start3A_47 = tpu.memref_slice %arg11[%run_scoped3A_44, %dma_start3A_46] : memref<8x128xi32, #tpu.memory_space<vmem>> -> memref<1x128xi32, #tpu.memory_space<vmem>>
        %dma_start3A_48 = tpu.memref_squeeze %dma_start3A_47 : memref<1x128xi32, #tpu.memory_space<vmem>> -> memref<128xi32, #tpu.memory_space<vmem>>
        %dma_start3A_49 = arith.constant 0 : i32
        %dma_start3A_50 = arith.constant 0 : i32
        %dma_start3A_51 = tpu.memref_slice %arg19[%dma_start3A_49, %dma_start3A_50] : memref<10240x16xf32, #tpu.memory_space<vmem_shared>> -> memref<10240x16xf32, #tpu.memory_space<vmem_shared>>
        tpu.enqueue_indirect_dma source(%arg18 : memref<128x16xf32, #tpu.memory_space<vmem>>) target(%dma_start3A_51 : memref<10240x16xf32, #tpu.memory_space<vmem_shared>>) offsets(%dma_start3A_48 : memref<128xi32, #tpu.memory_space<vmem>>) semaphore(%run_scoped3A_45 : memref<!tpu.dma_semaphore, #tpu.memory_space<semaphore_mem>>) {add = true}
        %dma_wait3A_52 = arith.constant 0 : i32
        %dma_wait3A_53 = tpu.memref_slice %arg11[%run_scoped3A_44, %dma_wait3A_52] : memref<8x128xi32, #tpu.memory_space<vmem>> -> memref<1x128xi32, #tpu.memory_space<vmem>>
        %dma_wait3A_54 = tpu.memref_squeeze %dma_wait3A_53 : memref<1x128xi32, #tpu.memory_space<vmem>> -> memref<128xi32, #tpu.memory_space<vmem>>
        %dma_wait3A_55 = arith.constant 0 : i32
        %dma_wait3A_56 = arith.constant 0 : i32
        %dma_wait3A_57 = tpu.memref_slice %arg19[%dma_wait3A_55, %dma_wait3A_56] : memref<10240x16xf32, #tpu.memory_space<vmem_shared>> -> memref<10240x16xf32, #tpu.memory_space<vmem_shared>>
        tpu.wait_indirect_dma semaphore(%run_scoped3A_45 : memref<!tpu.dma_semaphore, #tpu.memory_space<semaphore_mem>>) src(%arg18 : memref<128x16xf32, #tpu.memory_space<vmem>>) dst(%dma_wait3A_57 : memref<10240x16xf32, #tpu.memory_space<vmem_shared>>)
        tpu.yield
      }) : () -> ()
    }
    %scan3A_9 = arith.constant 10 : i32
    %barrier3A_10 = arith.constant 0 : index
    tpu.barrier barrier_id(%barrier3A_10)
    "tpu.region"() ({
      %run_scoped3A = tpu.sem_alloc : memref<!tpu.dma_semaphore, #tpu.memory_space<semaphore_mem>>
      %dma_start3A = arith.constant 0 : i32
      %dma_start3A_11 = tpu.memref_slice %arg8[%arg0, %mul3A_0, %dma_start3A] : memref<2x10240x128xf32, #tpu.memory_space<hbm>> -> memref<1x640x128xf32, #tpu.memory_space<hbm>>
      %dma_start3A_12 = tpu.memref_squeeze %dma_start3A_11 : memref<1x640x128xf32, #tpu.memory_space<hbm>> -> memref<640x128xf32, #tpu.memory_space<hbm>>
      %dma_start3A_13 = arith.constant 0 : i32
      %dma_start3A_14 = tpu.memref_slice %arg15[%mul3A_0, %dma_start3A_13] : memref<10240x128xf32, #tpu.memory_space<vmem_shared>> -> memref<640x128xf32, #tpu.memory_space<vmem_shared>>
      tpu.enqueue_dma source(%dma_start3A_14 : memref<640x128xf32, #tpu.memory_space<vmem_shared>>) target(%dma_start3A_12 : memref<640x128xf32, #tpu.memory_space<hbm>>) target_semaphore(%run_scoped3A : memref<!tpu.dma_semaphore, #tpu.memory_space<semaphore_mem>>)
      %dma_wait3A = arith.constant 0 : i32
      %dma_wait3A_15 = tpu.memref_slice %arg8[%arg0, %mul3A_0, %dma_wait3A] : memref<2x10240x128xf32, #tpu.memory_space<hbm>> -> memref<1x640x128xf32, #tpu.memory_space<hbm>>
      %dma_wait3A_16 = tpu.memref_squeeze %dma_wait3A_15 : memref<1x640x128xf32, #tpu.memory_space<hbm>> -> memref<640x128xf32, #tpu.memory_space<hbm>>
      %dma_wait3A_17 = arith.constant 0 : i32
      %dma_wait3A_18 = tpu.memref_slice %arg15[%mul3A_0, %dma_wait3A_17] : memref<10240x128xf32, #tpu.memory_space<vmem_shared>> -> memref<640x128xf32, #tpu.memory_space<vmem_shared>>
      tpu.wait_dma2 semaphore(%run_scoped3A : memref<!tpu.dma_semaphore, #tpu.memory_space<semaphore_mem>>) src(%dma_wait3A_18 : memref<640x128xf32, #tpu.memory_space<vmem_shared>>) dst(%dma_wait3A_16 : memref<640x128xf32, #tpu.memory_space<hbm>>)
      tpu.yield
    }) : () -> ()
    "tpu.region"() ({
      %run_scoped3A = tpu.sem_alloc : memref<!tpu.dma_semaphore, #tpu.memory_space<semaphore_mem>>
      %dma_start3A = arith.constant 0 : i32
      %dma_start3A_11 = tpu.memref_slice %arg9[%arg0, %mul3A_0, %dma_start3A] : memref<2x10240x16xf32, #tpu.memory_space<hbm>> -> memref<1x640x16xf32, #tpu.memory_space<hbm>>
      %dma_start3A_12 = tpu.memref_squeeze %dma_start3A_11 : memref<1x640x16xf32, #tpu.memory_space<hbm>> -> memref<640x16xf32, #tpu.memory_space<hbm>>
      %dma_start3A_13 = arith.constant 0 : i32
      %dma_start3A_14 = tpu.memref_slice %arg19[%mul3A_0, %dma_start3A_13] : memref<10240x16xf32, #tpu.memory_space<vmem_shared>> -> memref<640x16xf32, #tpu.memory_space<vmem_shared>>
      tpu.enqueue_dma source(%dma_start3A_14 : memref<640x16xf32, #tpu.memory_space<vmem_shared>>) target(%dma_start3A_12 : memref<640x16xf32, #tpu.memory_space<hbm>>) target_semaphore(%run_scoped3A : memref<!tpu.dma_semaphore, #tpu.memory_space<semaphore_mem>>)
      %dma_wait3A = arith.constant 0 : i32
      %dma_wait3A_15 = tpu.memref_slice %arg9[%arg0, %mul3A_0, %dma_wait3A] : memref<2x10240x16xf32, #tpu.memory_space<hbm>> -> memref<1x640x16xf32, #tpu.memory_space<hbm>>
      %dma_wait3A_16 = tpu.memref_squeeze %dma_wait3A_15 : memref<1x640x16xf32, #tpu.memory_space<hbm>> -> memref<640x16xf32, #tpu.memory_space<hbm>>
      %dma_wait3A_17 = arith.constant 0 : i32
      %dma_wait3A_18 = tpu.memref_slice %arg19[%mul3A_0, %dma_wait3A_17] : memref<10240x16xf32, #tpu.memory_space<vmem_shared>> -> memref<640x16xf32, #tpu.memory_space<vmem_shared>>
      tpu.wait_dma2 semaphore(%run_scoped3A : memref<!tpu.dma_semaphore, #tpu.memory_space<semaphore_mem>>) src(%dma_wait3A_18 : memref<640x16xf32, #tpu.memory_space<vmem_shared>>) dst(%dma_wait3A_16 : memref<640x16xf32, #tpu.memory_space<hbm>>)
      tpu.yield
    }) : () -> ()
    return
  }
}

module attributes {stable_mosaic.version = 14 : i64} {
  func.func @_mm_body(%arg0: i32, %arg1: memref<512x128xf32, #tpu.memory_space<vmem>>, %arg2: memref<128x128xf32, #tpu.memory_space<vmem>>, %arg3: memref<512x128xf32, #tpu.memory_space<vmem>>) attributes {dimension_semantics = [#tpu.dimension_semantics<arbitrary>], iteration_bounds = array<i64: 20>, scalar_prefetch = 0 : i64, scratch_operands = 0 : i64, tpu.core_type = #tpu.core_type<tc>, window_params = [{transform_indices = @transform_0, window_bounds = array<i64: 512, 128>}, {pipeline_mode = #tpu.pipeline_mode<synchronous>, transform_indices = @transform_1, window_bounds = array<i64: 128, 128>}, {transform_indices = @transform_2, window_bounds = array<i64: 512, 128>}]} {
    %get3A = arith.constant 0 : index
    %get3A_0 = arith.constant 0 : index
    %get3A_1 = vector.load %arg1[%get3A, %get3A_0] : memref<512x128xf32, #tpu.memory_space<vmem>>, vector<512x128xf32>
    %get3A_2 = arith.constant 0 : index
    %get3A_3 = arith.constant 0 : index
    %get3A_4 = vector.load %arg2[%get3A_2, %get3A_3] : memref<128x128xf32, #tpu.memory_space<vmem>>, vector<128x128xf32>
    %dot_general3A = arith.constant dense<0.000000e+00> : vector<512x128xf32>
    %dot_general3A_5 = tpu.matmul %get3A_1, %get3A_4, %dot_general3A {dimension_numbers = #tpu.dot_dimension_numbers<[1], [0], [0], [1], [0, 0, 1, 1], [], []>, precision = #tpu.contract_precision<fp32>, transpose_lhs_hint = false} : vector<512x128xf32>, vector<128x128xf32>, vector<512x128xf32> -> vector<512x128xf32>
    %swap3A = arith.constant 0 : index
    %swap3A_6 = arith.constant 0 : index
    %swap3A_7 = vector.load %arg3[%swap3A, %swap3A_6] : memref<512x128xf32, #tpu.memory_space<vmem>>, vector<512x128xf32>
    tpu.vector_store %arg3[%swap3A, %swap3A_6], %dot_general3A_5 {strides = array<i32>} : memref<512x128xf32, #tpu.memory_space<vmem>>, vector<512x128xf32>,
    return
  }
  func.func @transform_0(%arg0: i32) -> (i32, i32) {
    %c0_i32 = arith.constant 0 : i32
    %c0_i32_0 = arith.constant 0 : i32
    return %arg0, %c0_i32 : i32, i32
  }
  func.func @transform_1(%arg0: i32) -> (i32, i32) {
    %c0_i32 = arith.constant 0 : i32
    %c0_i32_0 = arith.constant 0 : i32
    %c0_i32_1 = arith.constant 0 : i32
    return %c0_i32, %c0_i32_0 : i32, i32
  }
  func.func @transform_2(%arg0: i32) -> (i32, i32) {
    %c0_i32 = arith.constant 0 : i32
    %c0_i32_0 = arith.constant 0 : i32
    return %arg0, %c0_i32 : i32, i32
  }
}

module attributes {stable_mosaic.version = 14 : i64} {
  func.func @_combine_body(%arg0: i32, %arg1: memref<2x512x128xf32, #tpu.memory_space<vmem>>, %arg2: memref<2x512x16xf32, #tpu.memory_space<vmem>>, %arg3: memref<512x128xf32, #tpu.memory_space<vmem>>, %arg4: memref<128x128xf32, #tpu.memory_space<vmem>>, %arg5: memref<1x128xf32, #tpu.memory_space<vmem>>, %arg6: memref<512x128xf32, #tpu.memory_space<vmem>>) attributes {dimension_semantics = [#tpu.dimension_semantics<arbitrary>], iteration_bounds = array<i64: 20>, scalar_prefetch = 0 : i64, scratch_operands = 0 : i64, tpu.core_type = #tpu.core_type<tc>, window_params = [{transform_indices = @transform_0, window_bounds = array<i64: 2, 512, 128>}, {transform_indices = @transform_1, window_bounds = array<i64: 2, 512, 16>}, {transform_indices = @transform_2, window_bounds = array<i64: 512, 128>}, {pipeline_mode = #tpu.pipeline_mode<synchronous>, transform_indices = @transform_3, window_bounds = array<i64: 128, 128>}, {pipeline_mode = #tpu.pipeline_mode<synchronous>, transform_indices = @transform_4, window_bounds = array<i64: 1, 128>}, {transform_indices = @transform_5, window_bounds = array<i64: 512, 128>}]} {
    %get3A = arith.constant 0 : index
    %get3A_0 = arith.constant 0 : index
    %get3A_1 = arith.constant 0 : index
    %get3A_2 = vector.load %arg2[%get3A, %get3A_0, %get3A_1] : memref<2x512x16xf32, #tpu.memory_space<vmem>>, vector<1x512x1xf32>
    %get3A_3 = vector.shape_cast %get3A_2 : vector<1x512x1xf32> to vector<512x1xf32>
    %get3A_4 = arith.constant 1 : index
    %get3A_5 = arith.constant 0 : index
    %get3A_6 = arith.constant 0 : index
    %get3A_7 = vector.load %arg2[%get3A_4, %get3A_5, %get3A_6] : memref<2x512x16xf32, #tpu.memory_space<vmem>>, vector<1x512x1xf32>
    %get3A_8 = vector.shape_cast %get3A_7 : vector<1x512x1xf32> to vector<512x1xf32>
    %add3A = arith.addf %get3A_3, %get3A_8 : vector<512x1xf32>
    %max3A = arith.constant 1.000000e+00 : f32
    %max3A_9 = vector.broadcast %max3A : f32 to vector<512x1xf32>
    %max3A_10 = arith.maximumf %add3A, %max3A_9 : vector<512x1xf32>
    %get3A_11 = arith.constant 0 : index
    %get3A_12 = arith.constant 0 : index
    %get3A_13 = arith.constant 0 : index
    %get3A_14 = vector.load %arg1[%get3A_11, %get3A_12, %get3A_13] : memref<2x512x128xf32, #tpu.memory_space<vmem>>, vector<1x512x128xf32>
    %get3A_15 = vector.shape_cast %get3A_14 : vector<1x512x128xf32> to vector<512x128xf32>
    %get3A_16 = arith.constant 1 : index
    %get3A_17 = arith.constant 0 : index
    %get3A_18 = arith.constant 0 : index
    %get3A_19 = vector.load %arg1[%get3A_16, %get3A_17, %get3A_18] : memref<2x512x128xf32, #tpu.memory_space<vmem>>, vector<1x512x128xf32>
    %get3A_20 = vector.shape_cast %get3A_19 : vector<1x512x128xf32> to vector<512x128xf32>
    %add3A_21 = arith.addf %get3A_15, %get3A_20 : vector<512x128xf32>
    %div3A = vector.broadcast %max3A_10 : vector<512x1xf32> to vector<512x128xf32>
    %div3A_22 = arith.divf %add3A_21, %div3A : vector<512x128xf32>
    %get3A_23 = arith.constant 0 : index
    %get3A_24 = arith.constant 0 : index
    %get3A_25 = vector.load %arg4[%get3A_23, %get3A_24] : memref<128x128xf32, #tpu.memory_space<vmem>>, vector<128x128xf32>
    %dot_general3A = arith.constant dense<0.000000e+00> : vector<512x128xf32>
    %dot_general3A_26 = tpu.matmul %div3A_22, %get3A_25, %dot_general3A {dimension_numbers = #tpu.dot_dimension_numbers<[1], [0], [0], [1], [0, 0, 1, 1], [], []>, precision = #tpu.contract_precision<fp32>, transpose_lhs_hint = false} : vector<512x128xf32>, vector<128x128xf32>, vector<512x128xf32> -> vector<512x128xf32>
    %get3A_27 = arith.constant 0 : index
    %get3A_28 = arith.constant 0 : index
    %get3A_29 = vector.load %arg3[%get3A_27, %get3A_28] : memref<512x128xf32, #tpu.memory_space<vmem>>, vector<512x128xf32>
    %add3A_30 = arith.addf %dot_general3A_26, %get3A_29 : vector<512x128xf32>
    %get3A_31 = arith.constant 0 : index
    %get3A_32 = arith.constant 0 : index
    %get3A_33 = vector.load %arg5[%get3A_31, %get3A_32] : memref<1x128xf32, #tpu.memory_space<vmem>>, vector<1x128xf32>
    %add3A_34 = vector.broadcast %get3A_33 : vector<1x128xf32> to vector<512x128xf32>
    %add3A_35 = arith.addf %add3A_30, %add3A_34 : vector<512x128xf32>
    %max3A_36 = arith.constant 0.000000e+00 : f32
    %max3A_37 = vector.broadcast %max3A_36 : f32 to vector<512x128xf32>
    %max3A_38 = arith.maximumf %add3A_35, %max3A_37 : vector<512x128xf32>
    %swap3A = arith.constant 0 : index
    %swap3A_39 = arith.constant 0 : index
    %swap3A_40 = vector.load %arg6[%swap3A, %swap3A_39] : memref<512x128xf32, #tpu.memory_space<vmem>>, vector<512x128xf32>
    tpu.vector_store %arg6[%swap3A, %swap3A_39], %max3A_38 {strides = array<i32>} : memref<512x128xf32, #tpu.memory_space<vmem>>, vector<512x128xf32>,
    return
  }
  func.func @transform_0(%arg0: i32) -> (i32, i32, i32) {
    %c0_i32 = arith.constant 0 : i32
    %c0_i32_0 = arith.constant 0 : i32
    %c0_i32_1 = arith.constant 0 : i32
    return %c0_i32, %arg0, %c0_i32_0 : i32, i32, i32
  }
  func.func @transform_1(%arg0: i32) -> (i32, i32, i32) {
    %c0_i32 = arith.constant 0 : i32
    %c0_i32_0 = arith.constant 0 : i32
    %c0_i32_1 = arith.constant 0 : i32
    return %c0_i32, %arg0, %c0_i32_0 : i32, i32, i32
  }
  func.func @transform_2(%arg0: i32) -> (i32, i32) {
    %c0_i32 = arith.constant 0 : i32
    %c0_i32_0 = arith.constant 0 : i32
    return %arg0, %c0_i32 : i32, i32
  }
  func.func @transform_3(%arg0: i32) -> (i32, i32) {
    %c0_i32 = arith.constant 0 : i32
    %c0_i32_0 = arith.constant 0 : i32
    %c0_i32_1 = arith.constant 0 : i32
    return %c0_i32, %c0_i32_0 : i32, i32
  }
  func.func @transform_4(%arg0: i32) -> (i32, i32) {
    %c0_i32 = arith.constant 0 : i32
    %c0_i32_0 = arith.constant 0 : i32
    %c0_i32_1 = arith.constant 0 : i32
    return %c0_i32, %c0_i32_0 : i32, i32
  }
  func.func @transform_5(%arg0: i32) -> (i32, i32) {
    %c0_i32 = arith.constant 0 : i32
    %c0_i32_0 = arith.constant 0 : i32
    return %arg0, %c0_i32 : i32, i32
  }
}

module attributes {stable_mosaic.version = 14 : i64} {
  func.func @_combine_body(%arg0: i32, %arg1: memref<2x512x128xf32, #tpu.memory_space<vmem>>, %arg2: memref<2x512x16xf32, #tpu.memory_space<vmem>>, %arg3: memref<512x128xf32, #tpu.memory_space<vmem>>, %arg4: memref<128x128xf32, #tpu.memory_space<vmem>>, %arg5: memref<1x128xf32, #tpu.memory_space<vmem>>, %arg6: memref<512x128xf32, #tpu.memory_space<vmem>>) attributes {dimension_semantics = [#tpu.dimension_semantics<arbitrary>], iteration_bounds = array<i64: 20>, scalar_prefetch = 0 : i64, scratch_operands = 0 : i64, tpu.core_type = #tpu.core_type<tc>, window_params = [{transform_indices = @transform_0, window_bounds = array<i64: 2, 512, 128>}, {transform_indices = @transform_1, window_bounds = array<i64: 2, 512, 16>}, {transform_indices = @transform_2, window_bounds = array<i64: 512, 128>}, {pipeline_mode = #tpu.pipeline_mode<synchronous>, transform_indices = @transform_3, window_bounds = array<i64: 128, 128>}, {pipeline_mode = #tpu.pipeline_mode<synchronous>, transform_indices = @transform_4, window_bounds = array<i64: 1, 128>}, {transform_indices = @transform_5, window_bounds = array<i64: 512, 128>}]} {
    %get3A = arith.constant 0 : index
    %get3A_0 = arith.constant 0 : index
    %get3A_1 = arith.constant 0 : index
    %get3A_2 = vector.load %arg2[%get3A, %get3A_0, %get3A_1] : memref<2x512x16xf32, #tpu.memory_space<vmem>>, vector<1x512x1xf32>
    %get3A_3 = vector.shape_cast %get3A_2 : vector<1x512x1xf32> to vector<512x1xf32>
    %get3A_4 = arith.constant 1 : index
    %get3A_5 = arith.constant 0 : index
    %get3A_6 = arith.constant 0 : index
    %get3A_7 = vector.load %arg2[%get3A_4, %get3A_5, %get3A_6] : memref<2x512x16xf32, #tpu.memory_space<vmem>>, vector<1x512x1xf32>
    %get3A_8 = vector.shape_cast %get3A_7 : vector<1x512x1xf32> to vector<512x1xf32>
    %add3A = arith.addf %get3A_3, %get3A_8 : vector<512x1xf32>
    %max3A = arith.constant 1.000000e+00 : f32
    %max3A_9 = vector.broadcast %max3A : f32 to vector<512x1xf32>
    %max3A_10 = arith.maximumf %add3A, %max3A_9 : vector<512x1xf32>
    %get3A_11 = arith.constant 0 : index
    %get3A_12 = arith.constant 0 : index
    %get3A_13 = arith.constant 0 : index
    %get3A_14 = vector.load %arg1[%get3A_11, %get3A_12, %get3A_13] : memref<2x512x128xf32, #tpu.memory_space<vmem>>, vector<1x512x128xf32>
    %get3A_15 = vector.shape_cast %get3A_14 : vector<1x512x128xf32> to vector<512x128xf32>
    %get3A_16 = arith.constant 1 : index
    %get3A_17 = arith.constant 0 : index
    %get3A_18 = arith.constant 0 : index
    %get3A_19 = vector.load %arg1[%get3A_16, %get3A_17, %get3A_18] : memref<2x512x128xf32, #tpu.memory_space<vmem>>, vector<1x512x128xf32>
    %get3A_20 = vector.shape_cast %get3A_19 : vector<1x512x128xf32> to vector<512x128xf32>
    %add3A_21 = arith.addf %get3A_15, %get3A_20 : vector<512x128xf32>
    %div3A = vector.broadcast %max3A_10 : vector<512x1xf32> to vector<512x128xf32>
    %div3A_22 = arith.divf %add3A_21, %div3A : vector<512x128xf32>
    %get3A_23 = arith.constant 0 : index
    %get3A_24 = arith.constant 0 : index
    %get3A_25 = vector.load %arg4[%get3A_23, %get3A_24] : memref<128x128xf32, #tpu.memory_space<vmem>>, vector<128x128xf32>
    %dot_general3A = arith.constant dense<0.000000e+00> : vector<512x128xf32>
    %dot_general3A_26 = tpu.matmul %div3A_22, %get3A_25, %dot_general3A {dimension_numbers = #tpu.dot_dimension_numbers<[1], [0], [0], [1], [0, 0, 1, 1], [], []>, precision = #tpu.contract_precision<fp32>, transpose_lhs_hint = false} : vector<512x128xf32>, vector<128x128xf32>, vector<512x128xf32> -> vector<512x128xf32>
    %get3A_27 = arith.constant 0 : index
    %get3A_28 = arith.constant 0 : index
    %get3A_29 = vector.load %arg3[%get3A_27, %get3A_28] : memref<512x128xf32, #tpu.memory_space<vmem>>, vector<512x128xf32>
    %add3A_30 = arith.addf %dot_general3A_26, %get3A_29 : vector<512x128xf32>
    %get3A_31 = arith.constant 0 : index
    %get3A_32 = arith.constant 0 : index
    %get3A_33 = vector.load %arg5[%get3A_31, %get3A_32] : memref<1x128xf32, #tpu.memory_space<vmem>>, vector<1x128xf32>
    %add3A_34 = vector.broadcast %get3A_33 : vector<1x128xf32> to vector<512x128xf32>
    %add3A_35 = arith.addf %add3A_30, %add3A_34 : vector<512x128xf32>
    %swap3A = arith.constant 0 : index
    %swap3A_36 = arith.constant 0 : index
    %swap3A_37 = vector.load %arg6[%swap3A, %swap3A_36] : memref<512x128xf32, #tpu.memory_space<vmem>>, vector<512x128xf32>
    tpu.vector_store %arg6[%swap3A, %swap3A_36], %add3A_35 {strides = array<i32>} : memref<512x128xf32, #tpu.memory_space<vmem>>, vector<512x128xf32>,
    return
  }
  func.func @transform_0(%arg0: i32) -> (i32, i32, i32) {
    %c0_i32 = arith.constant 0 : i32
    %c0_i32_0 = arith.constant 0 : i32
    %c0_i32_1 = arith.constant 0 : i32
    return %c0_i32, %arg0, %c0_i32_0 : i32, i32, i32
  }
  func.func @transform_1(%arg0: i32) -> (i32, i32, i32) {
    %c0_i32 = arith.constant 0 : i32
    %c0_i32_0 = arith.constant 0 : i32
    %c0_i32_1 = arith.constant 0 : i32
    return %c0_i32, %arg0, %c0_i32_0 : i32, i32, i32
  }
  func.func @transform_2(%arg0: i32) -> (i32, i32) {
    %c0_i32 = arith.constant 0 : i32
    %c0_i32_0 = arith.constant 0 : i32
    return %arg0, %c0_i32 : i32, i32
  }
  func.func @transform_3(%arg0: i32) -> (i32, i32) {
    %c0_i32 = arith.constant 0 : i32
    %c0_i32_0 = arith.constant 0 : i32
    %c0_i32_1 = arith.constant 0 : i32
    return %c0_i32, %c0_i32_0 : i32, i32
  }
  func.func @transform_4(%arg0: i32) -> (i32, i32) {
    %c0_i32 = arith.constant 0 : i32
    %c0_i32_0 = arith.constant 0 : i32
    %c0_i32_1 = arith.constant 0 : i32
    return %c0_i32, %c0_i32_0 : i32, i32
  }
  func.func @transform_5(%arg0: i32) -> (i32, i32) {
    %c0_i32 = arith.constant 0 : i32
    %c0_i32_0 = arith.constant 0 : i32
    return %arg0, %c0_i32 : i32, i32
  }
}

</mosaic_0001>

<sc_bundles>
// kernel: kernel.11.cloned.1.call-start
scs
__scs_entry_jumppad:
0x0: {  	(pc) =	sbr.rel $0x88, $3  }
0x1: {  	(tag) =	ssettag $0x0;
	lr =	simm.s32 $0x1  }
0x2: {  	[smem:$0x3F99] =	sst lr;
	_ =	strace $0xD0000000  }
0x3: {  	_ = 	snop  }
0x4: {  	_ = 	snop  }
0x5: {  	_ = 	snop  }
0x6: {  	_ = 	snop  }
0x7: {  	_ = 	snop  }
__scs_overlays_trampoline_lowered:
0x8: {  	[smem:$0x3FA8] =	sst s0  }
0x9: {  	[smem:$0x3FA9] =	sst s1  }
0xa: {  	[smem:$0x3FAA] =	sst s2  }
0xb: {  	[smem:$0x3FAB] =	sst s3  }
0xc: {  	[smem:$0x3FAC] =	sst s4  }
0xd: {  	[smem:$0x3FAD] =	sst s5  }
0xe: {  	[smem:$0x3FAE] =	sst s6  }
0xf: {  	[smem:$0x3FAF] =	sst s7  }
0x10: {  	[smem:$0x3FB0] =	sst s8  }
0x11: {  	[smem:$0x3FB1] =	sst s9;
	s0 =	simm.s32 @!p0 $0x0  }
0x12: {  	s1 =	sld [smem:$0x3F97];
	s0 =	simm.s32 @p0 $0x1  }
0x13: {  	[smem:$0x3FB2] =	sst s0;
	s0 =	simm.s32 @!p1 $0x0  }
0x14: {  	s2 =	sld [smem:$0x3F96];
	s0 =	simm.s32 @p1 $0x1  }
0x15: {  	[smem:$0x3FB3] =	sst s0;
	s0 =	simm.s32 @!p2 $0x0  }
0x16: {  	s3 =	sld [smem:$0x3FDB];
	s0 =	simm.s32 @p2 $0x1  }
0x17: {  	s4 =	simm.s32 $0x1BF5;
	[smem:$0x3FB5] =	sst s0  }
0x18: {  	s0 =	sld [smem:$0x3F98];
	_ =	swait.ge [sflag:s4], $0x0  }
0x19: {  	s7 =	sld [smem:$0x3F99]  }
0x1a: {  	s8 =	sadd.s32 $0xFFFFE003, lr  }
0x1b: {  	s9 =	sadd.s32 $0xFFFFFEF7, lr;
	s5 =	simm.s32 $0xFFFFFFFF;
	p2 =	slt.u32 s8, $0xFFFFF086  }
0x1c: {  	p1 =	slt.u32 s9, $0xF7A;
	s5 =	simm.s32 @!p2 $0x0  }
0x1d: {  	s5 =	simm.s32 @p1 $0x1;
	p0 =	seq.s32 s7, s2  }
0x1e: {  	s7 =	smul.u32 @!p0 $0xF7A, s2;
	p2 =	seq.s32 @!p0 s5, $0x0  }
0x1f: {  	s9 =	smul.u32 $0xF7A, s1;
	s8 =	simm.s32 @!p0 $0x1BF5;
	p2 =	por !p2, p0  }
0x20: {  	[sflag:s8] =	ssyncset.s32 @!p0 $0xFFFFF086;
	s6 =	sadd.s32 @!p0 s3, s7;
	s7 =	simm.s32 @!p0 $0x108  }
0x21: {  	s3 =	sadd.s32 s3, s9;
	s6 =	sadd.s32 @!p0 $0x88, s6;
	s7 =	simm.s32 @p2 $0x1082  }
0x22: {  	[simem:s7], [sflag:s8] =	dma.local @!p0 [hbm:s6], $0xF7A  }
0x23: {  	s9 =	sor.u32 $0xD0000000, s2;
	s6 =	simm.s32 $0x108;
	_ =	swait.ge @!p0 [sflag:s8], $0x0  }
0x24: {  	s3 =	sadd.s32 $0x88, s3;
	s6 =	simm.s32 @!p1 $0x1082;
	[sflag:s4] =	ssyncset.s32 $0xFFFFF086  }
0x25: {  	[simem:s6], [sflag:s4] =	dma.local [hbm:s3], $0xF7A  }
0x26: {  	[smem:$0x3F99] =	sst s1;
	(tag) =	ssettag s2;
	_ =	strace s9  }
0x27: {  	s1 =	sld [smem:$0x3FA9]  }
0x28: {  	s2 =	sld [smem:$0x3FAA]  }
0x29: {  	s4 =	sld [smem:$0x3FAC]  }
0x2a: {  	p0 =	seq.s32 s5, $0x0;
	s5 =	sld [smem:$0x3FAD]  }
0x2b: {  	s6 =	sld [smem:$0x3FAE]  }
0x2c: {  	s7 =	sld [smem:$0x3FAF]  }
0x2d: {  	s3 =	simm.s32 $0x108;
	s8 =	sld [smem:$0x3FB0]  }
0x2e: {  	s3 =	simm.s32 @!p0 $0x1082;
	s9 =	sld [smem:$0x3FB1]  }
0x2f: {  	lr =	sadd.s32 s0, s3;
	s0 =	sld [smem:$0x3FA8]  }
0x30: {  	s3 =	sld [smem:$0x3FAB]  }
0x31: {  	[smem:$0x3FB4] =	sst s10  }
0x32: {  	s10 =	sld [smem:$0x3FB2];
	_ =	sdelay $0x3  }
0x33: {  	p0 =	seq.s32 s10, $0x1;
	s10 =	sld [smem:$0x3FB4];
	_ =	sdelay $0x3  }
0x34: {  	[smem:$0x3FB4] =	sst s10  }
0x35: {  	s10 =	sld [smem:$0x3FB3];
	_ =	sdelay $0x3  }
0x36: {  	p1 =	seq.s32 s10, $0x1;
	s10 =	sld [smem:$0x3FB4];
	_ =	sdelay $0x3  }
0x37: {  	[smem:$0x3FB4] =	sst s10  }
0x38: {  	s10 =	sld [smem:$0x3FB5]  }
0x39: {  	_ = 	snop;
	(pc) =	sbr.ind lr, $3  }
0x3a: {  	_ = 	snop  }
0x3b: {  	_ = 	snop  }
0x3c: {  	p2 =	seq.s32 s10, $0x1;
	s10 =	sld [smem:$0x3FB4]  }
0x3d: {  	_ =	shalt  }
0x3e: {  	_ =	shalt  }
0x3f: {  	_ =	shalt  }
0x40: {  	_ =	shalt  }
0x41: {  	_ =	shalt  }
0x42: {  	_ =	shalt  }
0x43: {  	_ =	shalt  }
0x44: {  	_ =	shalt  }
0x45: {  	_ =	shalt  }
0x46: {  	_ =	shalt  }
0x47: {  	_ =	shalt  }
0x48: {  	_ =	shalt  }
0x49: {  	_ =	shalt  }
0x4a: {  	_ =	shalt  }
0x4b: {  	_ =	shalt  }
0x4c: {  	_ =	shalt  }
0x4d: {  	_ =	shalt  }
0x4e: {  	_ =	shalt  }
0x4f: {  	_ =	shalt  }
0x50: {  	_ =	shalt  }
0x51: {  	_ =	shalt  }
0x52: {  	_ =	shalt  }
0x53: {  	_ =	shalt  }
0x54: {  	_ =	shalt  }
0x55: {  	_ =	shalt  }
0x56: {  	_ =	shalt  }
0x57: {  	_ =	shalt  }
0x58: {  	_ =	shalt  }
0x59: {  	_ =	shalt  }
0x5a: {  	_ =	shalt  }
0x5b: {  	_ =	shalt  }
0x5c: {  	_ =	shalt  }
0x5d: {  	_ =	shalt  }
0x5e: {  	_ =	shalt  }
0x5f: {  	_ =	shalt  }
0x60: {  	_ =	shalt  }
0x61: {  	_ =	shalt  }
0x62: {  	_ =	shalt  }
0x63: {  	_ =	shalt  }
0x64: {  	_ =	shalt  }
0x65: {  	_ =	shalt  }
0x66: {  	_ =	shalt  }
0x67: {  	_ =	shalt  }
0x68: {  	_ =	shalt  }
0x69: {  	_ =	shalt  }
0x6a: {  	_ =	shalt  }
0x6b: {  	_ =	shalt  }
0x6c: {  	_ =	shalt  }
0x6d: {  	_ =	shalt  }
0x6e: {  	_ =	shalt  }
0x6f: {  	_ =	shalt  }
0x70: {  	_ =	shalt  }
0x71: {  	_ =	shalt  }
0x72: {  	_ =	shalt  }
0x73: {  	_ =	shalt  }
0x74: {  	_ =	shalt  }
0x75: {  	_ =	shalt  }
0x76: {  	_ =	shalt  }
0x77: {  	_ =	shalt  }
0x78: {  	_ =	shalt  }
0x79: {  	_ =	shalt  }
0x7a: {  	_ =	shalt  }
0x7b: {  	_ =	shalt  }
0x7c: {  	_ =	shalt  }
0x7d: {  	_ =	shalt  }
0x7e: {  	_ =	shalt  }
0x7f: {  	_ =	shalt  }
0x80: {  	_ =	shalt  }
0x81: {  	_ =	shalt  }
0x82: {  	_ =	shalt  }
0x83: {  	_ =	shalt  }
0x84: {  	_ =	shalt  }
0x85: {  	_ =	shalt  }
0x86: {  	_ =	shalt  }
0x87: {  	_ =	shalt  }
.Lfunc_end0:
.L_simem_size_0:
called_computation.1_lowered:
.L_overlay_start_0:
0x88: {  	s2 =	sld [smem:$0x3FD9]  }
0x89: {  	s3 =	sld [smem:$0x3FFE];
	_ =	sdelay $0x1  }
0x8a: {  	s1 =	srdreg.scid  }
0x8b: {  	s0 =	sand.u32 $0x1, s1  }
0x8c: {  	s17 =	sshll.u32 s0, $0xA;
	s2 =	sadd.s32 s3, s2  }
0x8d: {  	s2 =	sadd.s32 s2, s17  }
0x8e: {  	[smem:$0x3FC0] =	sst s2  }
0x8f: {  	_ = 	snop  }
0x90: {  	s2 =	sld [smem:$0x3FD0];
	(tm) =	ssettm $0x1  }
0x91: {  	s18 =	sld [smem:$0x3FFB];
	_ =	sdelay $0x3  }
0x92: {  	_ =	strace s18  }
0x93: {  	s3 =	sld [smem:$0x3FFC];
	_ =	sdelay $0x3  }
0x94: {  	_ =	strace s3  }
0x95: {  	s3 =	sld [smem:$0x3FFD];
	_ =	sdelay $0x3  }
0x96: {  	_ =	strace s3  }
0x97: {  	_ =	strace $0x8FFFFFFF  }
0x98: {  	s19 =	sld [smem:$0x3FDB];
	_ =	sdelay $0x1  }
0x99: {  	s4 =	simm.s32 $_scs_section_size  }
0x9a: {  	s5 =	simm.s32 $_size__tile_overlayer_lowered;
	s6 =	simm.s32 $_tile_overlayer_lowered  }
0x9b: {  	s22 =	simm.s32 $0x1BFF;
	s21 =	sshll.u32 s6, $0x1;
	s3 =	sadd.s32 s4, s19  }
0x9c: {  	s7 =	simm.s32 $0x0;
	s20 =	sshll.u32 s5, $0x1;
	s5 =	sadd.s32 s21, s3  }
0x9d: {  	[timem:s7], [sflag:s22] =	dma.local [hbm:s5], s20  }
0x9e: {  	_ =	swait.ge [sflag:s22], s20  }
0x9f: {  	s4 =	ssub.s32 $0x0, s20;
	[sflag:s22] =	ssyncset.done $0x0  }
0xa0: {  	[sflag:s22] =	ssyncadd.s32 s4;
	_ =	sdelay $0x1  }
0xa1: {  	s23 =	simm.s32 $0x1B8B  }
0xa2: {  	_ =	swait.ge [sflag:s23], $0x1  }
0xa3: {  	[sflag:s23] =	ssyncset.done $0x0  }
0xa4: {  	s25 =	simm.s32 $0x1B8E;
	s24 =	sld [smem:$0x3FFE];
	[sflag:s23] =	ssyncadd.s32 $0xFFFFFFFF  }
0xa5: {  	s26 =	simm.s32 $execute0_lowered;
	[smem:$0x3FD2] =	sst s25  }
0xa6: {  	s5 =	sshll.u32 s26, $0x1;
	_ =	strace $0x80000049;
	[dreg:$0x1] =	wrdreg $0xFFFFFFFF  }
0xa7: {  	s28 =	simm.s32 $_size_execute0_lowered;
	s3 =	sadd.s32 s3, s5;
	[dreg:$0x0] =	wrdreg $0x0  }
0xa8: {  	s5 =	sshll.u32 s28, $0x1;
	[dreg:$0x2] =	wrdreg s3  }
0xa9: {  	[dreg:$0x3] =	wrdreg s5  }
0xaa: {  	[dreg:$0x4] =	wrdreg $0xC0  }
0xab: {  	_ =	task [dreg:s7], $0x5FFFF  }
0xac: {  	[dreg:$0x1] =	wrdreg $0xFFFFFFFF  }
0xad: {  	[dreg:$0x0] =	wrdreg $0x60  }
0xae: {  	[dreg:$0x2] =	wrdreg s2  }
0xaf: {  	[dreg:$0x3] =	wrdreg s24  }
0xb0: {  	[dreg:$0x4] =	wrdreg $0x88000  }
0xb1: {  	[dreg:$0x5] =	wrdreg $0x9  }
0xb2: {  	_ =	task.clear_ibuf [dreg:s7], $0x6FFFF;
	_ =	strace $0x90000049  }
0xb3: {  	s29 =	simm.s32 $0x9;
	_ =	strace $0x8000004B  }
0xb4: {  	_ =	swait.ge [sflag:s29], $0x1  }
0xb5: {  	[sflag:s29] =	ssyncadd.s32 $0xFFFFFFFF  }
0xb6: {  	_ =	strace $0x9000004B  }
0xb7: {  	_ =	sfence  }
0xb8: {  	s30 =	sld [smem:$0x0];
	_ =	sdelay $0x2  }
0xb9: {  	s31 =	sshll.u32 s1, $0xD;
	s1 =	sshrl.u32 s1, $0x2  }
0xba: {  	s3 =	sand.u32 $0x4000, s31;
	s1 =	sadd.s32 s1, s30  }
0xbb: {  	s0 =	sor.u32 s3, s0;
	s1 =	sshll.u32 s1, $0x11  }
0xbc: {  	s0 =	sor.u32 s1, s0  }
0xbd: {  	s0 =	sadd.s32 $0x8F2B, s0  }
0xbe: {  	[sflag:s0] =	ssyncadd.remote.s32 $0x1  }
0xbf: {  	_ =	sfence.sel $0xFFFF  }
0xc0: {  	[dreg:$0x0] =	wrdreg $0xFFFFFFFF;
	(pc) =	sbr.abs _section_cstart, $3  }
0xc1: {  	[dreg:$0x1] =	wrdreg $0xFFFFFFFF  }
0xc2: {  	_ =	task.clear_ibuf [dreg:s7], $0x2FFFF;
	_ =	strace $0x9FFFFFFF  }
0xc3: {  	(tm) =	ssettm $0x7FFFFFFF  }
tec
execute0_lowered:
.L_overlay_start_1:
0x0: {  	(tag) =	ssettag $0x1  }
0x1: {  	s2 =	rddreg [dreg:$0x0]  }
0x2: {  	s7 =	rddreg [dreg:$0x1]  }
0x3: {  	s3 =	rddreg [dreg:$0x2]  }
0x4: {  	s0 =	rddreg [dreg:$0x3];
	s1 =	stileid.u32  }
0x5: {  	s5 =	srdreg.scid;
	s4 =	simm.s32 $0x0;
	s14 =	simm.s32 $0x400  }
0x6: {  	s15 =	simm.s32 $0x80;
	s16 =	simm.s32 $0x800;
	s17 =	simm.s32 $0x2800  }
0x7: {  	s18 =	simm.s32 $0x1;
	s19 =	simm.s32 $0x4800;
	s20 =	simm.s32 $0x2  }
0x8: {  	s21 =	simm.s32 $0x780;
	s8 =	smul.u32 $0x14000, s1;
	s9 =	sand.u32 $0x1, s5  }
0x9: {  	[smem:$0x7FF] =	sst s4;
	s5 =	sadd.s32 $0xB600, s7;
	s6 =	sadd.s32 $0x1600, s7  }
0xa: {  	s31 =	sshll.u32 s1, $0x6;
	s10 =	smul.u32 $0x140000, s9;
	_ =	strace $0x8000004A  }
0xb: {  	s12 =	ssub.s32 $0x2, s9;
	s29 =	sshll.u32 s9, $0x4;
	s11 =	sshrl.u32 s8, $0x3  }
0xc: {  	s13 =	sshrl.u32 s12, $0x1;
	s30 =	sadd.s32 s8, s3;
	s9 =	sor.u32 s1, s29  }
0xd: {  	s10 =	sadd.s32 s8, s10;
	s11 =	sadd.s32 s11, s7;
	s12 =	ssub.s32 s12, s13  }
0xe: {  	s8 =	sor.u32 $0x1C03, s31;
	s9 =	smul.u32 $0x2800, s9;
	s10 =	sshrl.u32 s10, $0x3  }
0xf: {  	s13 =	simm.s32 $0x3;
	s10 =	sadd.s32 s10, s7;
	s7 =	sadd.s32 $0x15600, s11  }
0x10: {  	s11 =	smax.u32 s12, $0x1;
	s12 =	sshrl.u32 s30, $0x3;
	s10 =	sadd.s32 $0x3D800, s10  }
.LBB2_1:
0x11: {  	[spmem:s12], [sflag:s8] =	dma.local [hbm:s7], $0x2800  }
0x12: {  	_ =	swait.ge [sflag:s13], $0x2800  }
0x13: {  	[sflag:s13] =	ssyncset.done $0x0  }
0x14: {  	[sflag:s13] =	ssyncadd.s32 $0xFFFFD800  }
0x15: {  	s22 =	simm.s32 $0x0;
	[bflag:$0x0] =	sbarrier.arrive $0xFFFF  }
.LBB2_2:
0x16: {  	s23 =	sshll.u32 s22, $0xA  }
0x17: {  	s23 =	sadd.s32 s9, s23  }
0x18: {  	s24 =	sshrl.u32 s23, $0x3  }
0x19: {  	s23 =	simm.s32 $0x0;
	s25 =	sadd.s32 s5, s24  }
0x1a: {  	[tilespmem:s23], [sflag:$0x3] =	stream.linear.gather [hbm4b:s25+s23], $0x400, $0x38;
	[tilespmem:$0x1C800] =	vst v63  }
0x1b: {  	_ =	swait.ge [sflag:s13], $0x400  }
0x1c: {  	[sflag:s13] =	ssyncset.done $0x0  }
0x1d: {  	s24 =	sadd.s32 s6, s24;
	[sflag:s13] =	ssyncadd.s32 $0xFFFFFC00  }
0x1e: {  	[tilespmem:s14], [sflag:$0x3] =	stream.linear.gather [hbm4b:s24+s23], $0x400, $0x38;
	[tilespmem:$0x1C800] =	vst v63  }
.Ltmp0:
0x1f: {  	_ = 	snop;
	(pc) =	sbr.rel .LBB2_3-.Ltmp0, $4  }
0x20: {  	_ =	swait.ge [sflag:s13], $0x400  }
0x21: {  	[sflag:s13] =	ssyncset.done $0x0  }
0x22: {  	[sflag:s13] =	ssyncadd.s32 $0xFFFFFC00  }
0x23: {  	[tilespmem:s16], [sflag:$0x1] =	stream.indirect.gather [hbm4b:s2+s15], $0x40, s23, s15, $0xb8;
	[tilespmem:$0x1C800] =	vst v63  }
.LBB2_9:
0x24: {  	v1 =	vshll.u32 v0, $0x10;
	s25 =	sadd.s32 $0x80, s25  }
0x25: {  	v60 =	vand.u32 $0xFFFF0000, v0;
	[tilespmem:s25+$0xFFFFFFC0] =	vst v1  }
0x26: {  	[tilespmem:s25+$0x0] =	vst v60  }
0x27: {  	v0 =	vld [tilespmem:s26+$0x2810];
	_ =	sdelay $0x4  }
0x28: {  	v61 =	vshll.u32 v0, $0x10  }
0x29: {  	v0 =	vand.u32 $0xFFFF0000, v0;
	[tilespmem:s25+$0xFFFFFFD0] =	vst v61  }
0x2a: {  	[tilespmem:s25+$0x10] =	vst v0  }
0x2b: {  	v0 =	vld [tilespmem:s26+$0x2820];
	_ =	sdelay $0x4  }
0x2c: {  	v62 =	vand.u32 $0xFFFF0000, v0  }
0x2d: {  	v0 =	vshll.u32 v0, $0x10;
	[tilespmem:s25+$0x20] =	vst v62  }
0x2e: {  	[tilespmem:s25+$0xFFFFFFE0] =	vst v0  }
0x2f: {  	v0 =	vld [tilespmem:s26+$0x2830];
	_ =	sdelay $0x4  }
0x30: {  	v63 =	vshll.u32 v0, $0x10  }
0x31: {  	v0 =	vand.u32 $0xFFFF0000, v0;
	[tilespmem:s25+$0xFFFFFFF0] =	vst v63  }
0x32: {  	[tilespmem:s25+$0x30] =	vst v0;
	s25 =	simm.s32 $0x3  }
.LBB2_10:
0x33: {  	s23 =	sadd.s32 $0x1, s23  }
0x34: {  	p0 =	sne.s32 s23, $0x7  }
.Ltmp1:
0x35: {  	s24 =	sadd.s32 $0x400, s24;
	(pc) =	sbr.rel @!p0 .LBB2_11-.Ltmp1, $4  }
0x36: {  	[spmem:s3] =	stream.indirect.scatter.add.f32 [tilespmem:s19], [sflag:s25], $0x80, s24, s15, $0xb8;
	[tilespmem:$0x1C800] =	vst v63  }
0x37: {  	_ =	swait.ge [sflag:s25], $0x4000  }
0x38: {  	[sflag:s25] =	ssyncset.done $0x0  }
0x39: {  	[sflag:s25] =	ssyncadd.s32 $0xFFFFC000  }
.LBB2_3:
0x3a: {  	s24 =	sand.u32 $0x1, s23  }
0x3b: {  	p0 =	seq.s32 s24, $0x1  }
.Ltmp2:
0x3c: {  	_ = 	snop;
	(pc) =	sbr.rel @p0 .LBB2_7-.Ltmp2, $4  }
0x3d: {  	_ = 	snop  }
0x3e: {  	s25 =	sshll.u32 s23, $0x9  }
0x3f: {  	s24 =	sshrl.u32 s25, $0x2  }
0x40: {  	s25 =	sadd.s32 $0x80, s24  }
0x41: {  	[tilespmem:s17], [sflag:$0x2] =	stream.indirect.gather [hbm4b:s2+s15], $0x40, s25, s15, $0xb8;
	[tilespmem:$0x1C800] =	vst v63  }
0x42: {  	_ =	swait.ge [sflag:s18], $0x2000  }
0x43: {  	[sflag:s18] =	ssyncset.done $0x0  }
0x44: {  	s26 =	simm.s32 $0x0;
	[sflag:s18] =	ssyncadd.s32 $0xFFFFE000  }
0x45: {  	v0 =	vld [tilespmem:s26+$0x800];
	_ =	sdelay $0x4  }
0x46: {  	s25 =	simm.s32 $0x4840;
	v1 =	vshll.u32 v0, $0x10  }
0x47: {  	v0 =	vand.u32 $0xFFFF0000, v0;
	[tilespmem:s25+$0xFFFFFFC0] =	vst v1  }
0x48: {  	[tilespmem:s25+$0x0] =	vst v0  }
0x49: {  	v0 =	vld [tilespmem:s26+$0x810];
	_ =	sdelay $0x4  }
0x4a: {  	v1 =	vshll.u32 v0, $0x10  }
0x4b: {  	v0 =	vand.u32 $0xFFFF0000, v0;
	[tilespmem:s25+$0xFFFFFFD0] =	vst v1  }
0x4c: {  	[tilespmem:s25+$0x10] =	vst v0  }
0x4d: {  	v0 =	vld [tilespmem:s26+$0x820];
	_ =	sdelay $0x4  }
0x4e: {  	v1 =	vand.u32 $0xFFFF0000, v0  }
0x4f: {  	v0 =	vshll.u32 v0, $0x10;
	[tilespmem:s25+$0x20] =	vst v1  }
0x50: {  	[tilespmem:s25+$0xFFFFFFE0] =	vst v0  }
0x51: {  	v0 =	vld [tilespmem:s26+$0x830];
	_ =	sdelay $0x4  }
0x52: {  	v1 =	vshll.u32 v0, $0x10  }
0x53: {  	v0 =	vand.u32 $0xFFFF0000, v0;
	[tilespmem:s25+$0xFFFFFFF0] =	vst v1  }
0x54: {  	s26 =	simm.s32 $0x40;
	[tilespmem:s25+$0x30] =	vst v0  }
0x55: {  	v0 =	vld [tilespmem:s26+$0x800]  }
0x56: {  	s28 =	simm.s32 $0x200  }
.LBB2_5:
0x57: {  	p0 =	sne.s32 s28, $0x7F00;
	_ =	sdelay $0x2  }
0x58: {  	s25 =	sadd.s32 $0x80, s25;
	v1 =	vshll.u32 v0, $0x10  }
0x59: {  	v0 =	vand.u32 $0xFFFF0000, v0;
	[tilespmem:s25+$0xFFFFFFC0] =	vst v1  }
0x5a: {  	[tilespmem:s25+$0x0] =	vst v0  }
0x5b: {  	v0 =	vld [tilespmem:s26+$0x810];
	_ =	sdelay $0x4  }
0x5c: {  	v1 =	vshll.u32 v0, $0x10  }
0x5d: {  	v0 =	vand.u32 $0xFFFF0000, v0;
	[tilespmem:s25+$0xFFFFFFD0] =	vst v1  }
0x5e: {  	[tilespmem:s25+$0x10] =	vst v0  }
0x5f: {  	v0 =	vld [tilespmem:s26+$0x820];
	_ =	sdelay $0x4  }
0x60: {  	v1 =	vshll.u32 v0, $0x10;
	v0 =	vand.u32 $0xFFFF0000, v0  }
0x61: {  	[tilespmem:s25+$0x20] =	vst v0  }
0x62: {  	[tilespmem:s25+$0xFFFFFFE0] =	vst v1  }
0x63: {  	v0 =	vld [tilespmem:s26+$0x830];
	_ =	sdelay $0x4  }
.Ltmp3:
0x64: {  	v1 =	vshll.u32 v0, $0x10;
	v0 =	vand.u32 $0xFFFF0000, v0;
	(pc) =	sbr.rel @p0 .LBB2_5-.Ltmp3, $4  }
0x65: {  	[tilespmem:s25+$0xFFFFFFF0] =	vst v1  }
0x66: {  	s26 =	sshra.s32 s28, $0x2;
	[tilespmem:s25+$0x30] =	vst v0  }
0x67: {  	v0 =	vld [tilespmem:s26+$0x800]  }
0x68: {  	s28 =	sadd.s32 $0x100, s28  }
0x69: {  	_ =	sdelay $0x2  }
0x6a: {  	s25 =	sadd.s32 $0x80, s25;
	v1 =	vshll.u32 v0, $0x10  }
0x6b: {  	v60 =	vand.u32 $0xFFFF0000, v0;
	[tilespmem:s25+$0xFFFFFFC0] =	vst v1  }
0x6c: {  	[tilespmem:s25+$0x0] =	vst v60  }
0x6d: {  	v0 =	vld [tilespmem:s26+$0x810];
	_ =	sdelay $0x4  }
0x6e: {  	v61 =	vshll.u32 v0, $0x10  }
0x6f: {  	v0 =	vand.u32 $0xFFFF0000, v0;
	[tilespmem:s25+$0xFFFFFFD0] =	vst v61  }
0x70: {  	[tilespmem:s25+$0x10] =	vst v0  }
0x71: {  	v0 =	vld [tilespmem:s26+$0x820];
	_ =	sdelay $0x4  }
0x72: {  	v62 =	vand.u32 $0xFFFF0000, v0  }
0x73: {  	v0 =	vshll.u32 v0, $0x10;
	[tilespmem:s25+$0x20] =	vst v62  }
0x74: {  	[tilespmem:s25+$0xFFFFFFE0] =	vst v0  }
0x75: {  	v0 =	vld [tilespmem:s26+$0x830];
	_ =	sdelay $0x2  }
.Ltmp4:
0x76: {  	_ = 	snop;
	(pc) =	sbr.rel .LBB2_10-.Ltmp4, $4  }
0x77: {  	_ = 	snop  }
0x78: {  	v63 =	vshll.u32 v0, $0x10  }
0x79: {  	v0 =	vand.u32 $0xFFFF0000, v0;
	[tilespmem:s25+$0xFFFFFFF0] =	vst v63  }
0x7a: {  	[tilespmem:s25+$0x30] =	vst v0;
	s25 =	simm.s32 $0x4  }
.LBB2_7:
0x7b: {  	[tilespmem:s16], [sflag:$0x1] =	stream.indirect.gather [hbm4b:s2+s15], $0x40, s25, s15, $0xb8;
	[tilespmem:$0x1C800] =	vst v63  }
0x7c: {  	_ =	swait.ge [sflag:s20], $0x2000  }
0x7d: {  	[sflag:s20] =	ssyncset.done $0x0  }
0x7e: {  	s26 =	simm.s32 $0x0;
	[sflag:s20] =	ssyncadd.s32 $0xFFFFE000  }
0x7f: {  	v0 =	vld [tilespmem:s26+$0x2800];
	_ =	sdelay $0x4  }
0x80: {  	s25 =	simm.s32 $0x4840;
	v1 =	vshll.u32 v0, $0x10  }
0x81: {  	v0 =	vand.u32 $0xFFFF0000, v0;
	[tilespmem:s25+$0xFFFFFFC0] =	vst v1  }
0x82: {  	[tilespmem:s25+$0x0] =	vst v0  }
0x83: {  	v0 =	vld [tilespmem:s26+$0x2810];
	_ =	sdelay $0x4  }
0x84: {  	v1 =	vshll.u32 v0, $0x10  }
0x85: {  	v0 =	vand.u32 $0xFFFF0000, v0;
	[tilespmem:s25+$0xFFFFFFD0] =	vst v1  }
0x86: {  	[tilespmem:s25+$0x10] =	vst v0  }
0x87: {  	v0 =	vld [tilespmem:s26+$0x2820];
	_ =	sdelay $0x4  }
0x88: {  	v1 =	vand.u32 $0xFFFF0000, v0  }
0x89: {  	v0 =	vshll.u32 v0, $0x10;
	[tilespmem:s25+$0x20] =	vst v1  }
0x8a: {  	[tilespmem:s25+$0xFFFFFFE0] =	vst v0  }
0x8b: {  	v0 =	vld [tilespmem:s26+$0x2830];
	_ =	sdelay $0x4  }
0x8c: {  	v1 =	vshll.u32 v0, $0x10  }
0x8d: {  	v0 =	vand.u32 $0xFFFF0000, v0;
	[tilespmem:s25+$0xFFFFFFF0] =	vst v1  }
0x8e: {  	s26 =	simm.s32 $0x40;
	[tilespmem:s25+$0x30] =	vst v0  }
0x8f: {  	v0 =	vld [tilespmem:s26+$0x2800]  }
0x90: {  	s28 =	simm.s32 $0x200  }
.LBB2_8:
0x91: {  	p0 =	sne.s32 s28, $0x7F00;
	_ =	sdelay $0x2  }
0x92: {  	v1 =	vshll.u32 v0, $0x10;
	s25 =	sadd.s32 $0x80, s25  }
0x93: {  	v0 =	vand.u32 $0xFFFF0000, v0;
	[tilespmem:s25+$0xFFFFFFC0] =	vst v1  }
0x94: {  	[tilespmem:s25+$0x0] =	vst v0  }
0x95: {  	v0 =	vld [tilespmem:s26+$0x2810];
	_ =	sdelay $0x4  }
0x96: {  	v1 =	vshll.u32 v0, $0x10  }
0x97: {  	v0 =	vand.u32 $0xFFFF0000, v0;
	[tilespmem:s25+$0xFFFFFFD0] =	vst v1  }
0x98: {  	[tilespmem:s25+$0x10] =	vst v0  }
0x99: {  	v0 =	vld [tilespmem:s26+$0x2820];
	_ =	sdelay $0x4  }
0x9a: {  	v1 =	vshll.u32 v0, $0x10;
	v0 =	vand.u32 $0xFFFF0000, v0  }
0x9b: {  	[tilespmem:s25+$0x20] =	vst v0  }
0x9c: {  	[tilespmem:s25+$0xFFFFFFE0] =	vst v1  }
0x9d: {  	v0 =	vld [tilespmem:s26+$0x2830];
	_ =	sdelay $0x4  }
.Ltmp5:
0x9e: {  	v1 =	vshll.u32 v0, $0x10;
	v0 =	vand.u32 $0xFFFF0000, v0;
	(pc) =	sbr.rel @p0 .LBB2_8-.Ltmp5, $4  }
0x9f: {  	[tilespmem:s25+$0xFFFFFFF0] =	vst v1  }
0xa0: {  	s26 =	sshra.s32 s28, $0x2;
	[tilespmem:s25+$0x30] =	vst v0  }
0xa1: {  	v0 =	vld [tilespmem:s26+$0x2800]  }
0xa2: {  	s28 =	sadd.s32 $0x100, s28  }
.Ltmp6:
0xa3: {  	_ = 	snop;
	(pc) =	sbr.rel .LBB2_9-.Ltmp6, $1  }
0xa4: {  	_ =	sdelay $0x3  }
.LBB2_11:
0xa5: {  	_ =	swait.ge [sflag:s20], $0x2000  }
0xa6: {  	[sflag:s20] =	ssyncset.done $0x0  }
0xa7: {  	s24 =	simm.s32 $0x0;
	[sflag:s20] =	ssyncadd.s32 $0xFFFFE000  }
0xa8: {  	v0 =	vld [tilespmem:s24+$0x2800];
	_ =	sdelay $0x4  }
0xa9: {  	s23 =	simm.s32 $0x4840;
	v1 =	vshll.u32 v0, $0x10  }
0xaa: {  	v0 =	vand.u32 $0xFFFF0000, v0;
	[tilespmem:s23+$0xFFFFFFC0] =	vst v1  }
0xab: {  	[tilespmem:s23+$0x0] =	vst v0  }
0xac: {  	v0 =	vld [tilespmem:s24+$0x2810];
	_ =	sdelay $0x4  }
0xad: {  	v1 =	vshll.u32 v0, $0x10  }
0xae: {  	v0 =	vand.u32 $0xFFFF0000, v0;
	[tilespmem:s23+$0xFFFFFFD0] =	vst v1  }
0xaf: {  	[tilespmem:s23+$0x10] =	vst v0  }
0xb0: {  	v0 =	vld [tilespmem:s24+$0x2820];
	_ =	sdelay $0x4  }
0xb1: {  	v1 =	vand.u32 $0xFFFF0000, v0  }
0xb2: {  	v0 =	vshll.u32 v0, $0x10;
	[tilespmem:s23+$0x20] =	vst v1  }
0xb3: {  	[tilespmem:s23+$0xFFFFFFE0] =	vst v0  }
0xb4: {  	v0 =	vld [tilespmem:s24+$0x2830];
	_ =	sdelay $0x4  }
0xb5: {  	v1 =	vshll.u32 v0, $0x10  }
0xb6: {  	v0 =	vand.u32 $0xFFFF0000, v0;
	[tilespmem:s23+$0xFFFFFFF0] =	vst v1  }
0xb7: {  	s24 =	simm.s32 $0x40;
	[tilespmem:s23+$0x30] =	vst v0  }
0xb8: {  	v0 =	vld [tilespmem:s24+$0x2800]  }
0xb9: {  	s25 =	simm.s32 $0x200  }
.LBB2_12:
0xba: {  	p0 =	sne.s32 s25, $0x7F00;
	_ =	sdelay $0x2  }
0xbb: {  	s23 =	sadd.s32 $0x80, s23;
	v1 =	vshll.u32 v0, $0x10  }
0xbc: {  	v0 =	vand.u32 $0xFFFF0000, v0;
	[tilespmem:s23+$0xFFFFFFC0] =	vst v1  }
0xbd: {  	[tilespmem:s23+$0x0] =	vst v0  }
0xbe: {  	v0 =	vld [tilespmem:s24+$0x2810];
	_ =	sdelay $0x4  }
0xbf: {  	v1 =	vshll.u32 v0, $0x10  }
0xc0: {  	v0 =	vand.u32 $0xFFFF0000, v0;
	[tilespmem:s23+$0xFFFFFFD0] =	vst v1  }
0xc1: {  	[tilespmem:s23+$0x10] =	vst v0  }
0xc2: {  	v0 =	vld [tilespmem:s24+$0x2820];
	_ =	sdelay $0x4  }
0xc3: {  	v1 =	vshll.u32 v0, $0x10;
	v0 =	vand.u32 $0xFFFF0000, v0  }
0xc4: {  	[tilespmem:s23+$0x20] =	vst v0  }
0xc5: {  	[tilespmem:s23+$0xFFFFFFE0] =	vst v1  }
0xc6: {  	v0 =	vld [tilespmem:s24+$0x2830];
	_ =	sdelay $0x4  }
.Ltmp7:
0xc7: {  	v1 =	vshll.u32 v0, $0x10;
	v0 =	vand.u32 $0xFFFF0000, v0;
	(pc) =	sbr.rel @p0 .LBB2_12-.Ltmp7, $4  }
0xc8: {  	[tilespmem:s23+$0xFFFFFFF0] =	vst v1  }
0xc9: {  	s24 =	sshra.s32 s25, $0x2;
	[tilespmem:s23+$0x30] =	vst v0  }
0xca: {  	v0 =	vld [tilespmem:s24+$0x2800]  }
0xcb: {  	s25 =	sadd.s32 $0x100, s25  }
0xcc: {  	_ =	sdelay $0x2  }
0xcd: {  	s23 =	sadd.s32 $0x80, s23;
	v1 =	vshll.u32 v0, $0x10  }
0xce: {  	v60 =	vand.u32 $0xFFFF0000, v0;
	[tilespmem:s23+$0xFFFFFFC0] =	vst v1  }
0xcf: {  	[tilespmem:s23+$0x0] =	vst v60  }
0xd0: {  	v0 =	vld [tilespmem:s24+$0x2810];
	_ =	sdelay $0x4  }
0xd1: {  	v61 =	vshll.u32 v0, $0x10  }
0xd2: {  	v0 =	vand.u32 $0xFFFF0000, v0;
	[tilespmem:s23+$0xFFFFFFD0] =	vst v61  }
0xd3: {  	[tilespmem:s23+$0x10] =	vst v0  }
0xd4: {  	v0 =	vld [tilespmem:s24+$0x2820];
	_ =	sdelay $0x4  }
0xd5: {  	v62 =	vand.u32 $0xFFFF0000, v0  }
0xd6: {  	v0 =	vshll.u32 v0, $0x10;
	[tilespmem:s23+$0x20] =	vst v62  }
0xd7: {  	[tilespmem:s23+$0xFFFFFFE0] =	vst v0  }
0xd8: {  	v0 =	vld [tilespmem:s24+$0x2830];
	_ =	sdelay $0x4  }
0xd9: {  	s22 =	sadd.s32 $0x1, s22;
	v63 =	vshll.u32 v0, $0x10  }
0xda: {  	p0 =	sne.s32 s22, $0xA;
	v0 =	vand.u32 $0xFFFF0000, v0;
	[tilespmem:s23+$0xFFFFFFF0] =	vst v63  }
.Ltmp8:
0xdb: {  	[tilespmem:s23+$0x30] =	vst v0;
	(pc) =	sbr.rel @p0 .LBB2_2-.Ltmp8, $4  }
0xdc: {  	[spmem:s3] =	stream.indirect.scatter.add.f32 [tilespmem:s19], [sflag:$0x3], $0x80, s21, s15, $0xb8;
	[tilespmem:$0x1C800] =	vst v63  }
0xdd: {  	_ =	swait.ge [sflag:s13], $0x4000  }
0xde: {  	[sflag:s13] =	ssyncset.done $0x0  }
0xdf: {  	[sflag:s13] =	ssyncadd.s32 $0xFFFFC000  }
0xe0: {  	s4 =	sadd.s32 $0x1, s4  }
0xe1: {  	p0 =	sne.s32 s4, s11  }
.Ltmp9:
0xe2: {  	[bflag:$0x0] =	sbarrier.arrive $0xFFFF;
	(pc) =	sbr.rel @p0 .LBB2_1-.Ltmp9, $4  }
0xe3: {  	[hbm:s10], [sflag:s8] =	dma.local [spmem:s12], $0x2800  }
0xe4: {  	_ =	swait.ge [sflag:s13], $0x2800  }
0xe5: {  	[sflag:s13] =	ssyncset.done $0x0  }
0xe6: {  	[sflag:s13] =	ssyncadd.s32 $0xFFFFD800  }
0xe7: {  	_ =	sfence.sel $0x180000  }
0xe8: {  	[bflag:$0x0] =	sbarrier.arrive $0xFFFF  }
0xe9: {  	p0 =	sne.s32 s1, $0x0;
	_ =	strace $0x9000004A  }
0xea: {  	s0 =	sadd.s32 @!p0 $0x100000, s0;
	[bflag:$0x2] =	sbarrier.arrive $0xFFFF  }
0xeb: {  	[sflag:s0] =	ssyncadd.tile.s32 @!p0 $0x1;
	_ =	shalt  }
.Lfunc_end2:
_tile_overlayer_lowered:
.L_overlay_start_2:
0xec: {  	(tag) =	ssettag $0x2  }
0xed: {  	s0 =	rddreg [dreg:$0x0];
	s2 =	stileid.u32  }
0xee: {  	s1 =	rddreg [dreg:$0x1];
	p0 =	sne.s32 s2, $0x0  }
0xef: {  	s3 =	rddreg [dreg:$0x2];
	[bflag:$0x3] =	sbarrier.arrive $0xFFFF;
	s2 =	simm.s32 @!p0 $0x1C03  }
0xf0: {  	[timem:s3], [sflag:s2] =	dma.local @!p0 [hbm:s0], s1  }
0xf1: {  	s0 =	simm.s32 @!p0 $0x3  }
0xf2: {  	_ =	swait.ge @!p0 [sflag:s0], s1  }
0xf3: {  	s1 =	ssub.s32 @!p0 $0x0, s1;
	[sflag:s0] =	ssyncset.done @!p0 $0x0  }
0xf4: {  	[sflag:s0] =	ssyncadd.s32 @!p0 s1  }
0xf5: {  	[bflag:$0x3] =	sbarrier.arrive $0xFFFF  }
0xf6: {  	_ =	shalt  }

// kernel: kernel.8.cloned.1.call-start
scs
__scs_entry_jumppad:
0x0: {  	(pc) =	sbr.rel $0x88, $3  }
0x1: {  	(tag) =	ssettag $0x0;
	lr =	simm.s32 $0x1  }
0x2: {  	[smem:$0x3F99] =	sst lr;
	_ =	strace $0xD0000000  }
0x3: {  	_ = 	snop  }
0x4: {  	_ = 	snop  }
0x5: {  	_ = 	snop  }
0x6: {  	_ = 	snop  }
0x7: {  	_ = 	snop  }
__scs_overlays_trampoline_lowered:
0x8: {  	[smem:$0x3FA8] =	sst s0  }
0x9: {  	[smem:$0x3FA9] =	sst s1  }
0xa: {  	[smem:$0x3FAA] =	sst s2  }
0xb: {  	[smem:$0x3FAB] =	sst s3  }
0xc: {  	[smem:$0x3FAC] =	sst s4  }
0xd: {  	[smem:$0x3FAD] =	sst s5  }
0xe: {  	[smem:$0x3FAE] =	sst s6  }
0xf: {  	[smem:$0x3FAF] =	sst s7  }
0x10: {  	[smem:$0x3FB0] =	sst s8  }
0x11: {  	[smem:$0x3FB1] =	sst s9;
	s0 =	simm.s32 @!p0 $0x0  }
0x12: {  	s1 =	sld [smem:$0x3F97];
	s0 =	simm.s32 @p0 $0x1  }
0x13: {  	[smem:$0x3FB2] =	sst s0;
	s0 =	simm.s32 @!p1 $0x0  }
0x14: {  	s2 =	sld [smem:$0x3F96];
	s0 =	simm.s32 @p1 $0x1  }
0x15: {  	[smem:$0x3FB3] =	sst s0;
	s0 =	simm.s32 @!p2 $0x0  }
0x16: {  	s3 =	sld [smem:$0x3FDB];
	s0 =	simm.s32 @p2 $0x1  }
0x17: {  	s4 =	simm.s32 $0x1BF5;
	[smem:$0x3FB5] =	sst s0  }
0x18: {  	s0 =	sld [smem:$0x3F98];
	_ =	swait.ge [sflag:s4], $0x0  }
0x19: {  	s7 =	sld [smem:$0x3F99]  }
0x1a: {  	s8 =	sadd.s32 $0xFFFFE003, lr  }
0x1b: {  	s9 =	sadd.s32 $0xFFFFFEF7, lr;
	s5 =	simm.s32 $0xFFFFFFFF;
	p2 =	slt.u32 s8, $0xFFFFF086  }
0x1c: {  	p1 =	slt.u32 s9, $0xF7A;
	s5 =	simm.s32 @!p2 $0x0  }
0x1d: {  	s5 =	simm.s32 @p1 $0x1;
	p0 =	seq.s32 s7, s2  }
0x1e: {  	s7 =	smul.u32 @!p0 $0xF7A, s2;
	p2 =	seq.s32 @!p0 s5, $0x0  }
0x1f: {  	s9 =	smul.u32 $0xF7A, s1;
	s8 =	simm.s32 @!p0 $0x1BF5;
	p2 =	por !p2, p0  }
0x20: {  	[sflag:s8] =	ssyncset.s32 @!p0 $0xFFFFF086;
	s6 =	sadd.s32 @!p0 s3, s7;
	s7 =	simm.s32 @!p0 $0x108  }
0x21: {  	s3 =	sadd.s32 s3, s9;
	s6 =	sadd.s32 @!p0 $0x88, s6;
	s7 =	simm.s32 @p2 $0x1082  }
0x22: {  	[simem:s7], [sflag:s8] =	dma.local @!p0 [hbm:s6], $0xF7A  }
0x23: {  	s9 =	sor.u32 $0xD0000000, s2;
	s6 =	simm.s32 $0x108;
	_ =	swait.ge @!p0 [sflag:s8], $0x0  }
0x24: {  	s3 =	sadd.s32 $0x88, s3;
	s6 =	simm.s32 @!p1 $0x1082;
	[sflag:s4] =	ssyncset.s32 $0xFFFFF086  }
0x25: {  	[simem:s6], [sflag:s4] =	dma.local [hbm:s3], $0xF7A  }
0x26: {  	[smem:$0x3F99] =	sst s1;
	(tag) =	ssettag s2;
	_ =	strace s9  }
0x27: {  	s1 =	sld [smem:$0x3FA9]  }
0x28: {  	s2 =	sld [smem:$0x3FAA]  }
0x29: {  	s4 =	sld [smem:$0x3FAC]  }
0x2a: {  	p0 =	seq.s32 s5, $0x0;
	s5 =	sld [smem:$0x3FAD]  }
0x2b: {  	s6 =	sld [smem:$0x3FAE]  }
0x2c: {  	s7 =	sld [smem:$0x3FAF]  }
0x2d: {  	s3 =	simm.s32 $0x108;
	s8 =	sld [smem:$0x3FB0]  }
0x2e: {  	s3 =	simm.s32 @!p0 $0x1082;
	s9 =	sld [smem:$0x3FB1]  }
0x2f: {  	lr =	sadd.s32 s0, s3;
	s0 =	sld [smem:$0x3FA8]  }
0x30: {  	s3 =	sld [smem:$0x3FAB]  }
0x31: {  	[smem:$0x3FB4] =	sst s10  }
0x32: {  	s10 =	sld [smem:$0x3FB2];
	_ =	sdelay $0x3  }
0x33: {  	p0 =	seq.s32 s10, $0x1;
	s10 =	sld [smem:$0x3FB4];
	_ =	sdelay $0x3  }
0x34: {  	[smem:$0x3FB4] =	sst s10  }
0x35: {  	s10 =	sld [smem:$0x3FB3];
	_ =	sdelay $0x3  }
0x36: {  	p1 =	seq.s32 s10, $0x1;
	s10 =	sld [smem:$0x3FB4];
	_ =	sdelay $0x3  }
0x37: {  	[smem:$0x3FB4] =	sst s10  }
0x38: {  	s10 =	sld [smem:$0x3FB5]  }
0x39: {  	_ = 	snop;
	(pc) =	sbr.ind lr, $3  }
0x3a: {  	_ = 	snop  }
0x3b: {  	_ = 	snop  }
0x3c: {  	p2 =	seq.s32 s10, $0x1;
	s10 =	sld [smem:$0x3FB4]  }
0x3d: {  	_ =	shalt  }
0x3e: {  	_ =	shalt  }
0x3f: {  	_ =	shalt  }
0x40: {  	_ =	shalt  }
0x41: {  	_ =	shalt  }
0x42: {  	_ =	shalt  }
0x43: {  	_ =	shalt  }
0x44: {  	_ =	shalt  }
0x45: {  	_ =	shalt  }
0x46: {  	_ =	shalt  }
0x47: {  	_ =	shalt  }
0x48: {  	_ =	shalt  }
0x49: {  	_ =	shalt  }
0x4a: {  	_ =	shalt  }
0x4b: {  	_ =	shalt  }
0x4c: {  	_ =	shalt  }
0x4d: {  	_ =	shalt  }
0x4e: {  	_ =	shalt  }
0x4f: {  	_ =	shalt  }
0x50: {  	_ =	shalt  }
0x51: {  	_ =	shalt  }
0x52: {  	_ =	shalt  }
0x53: {  	_ =	shalt  }
0x54: {  	_ =	shalt  }
0x55: {  	_ =	shalt  }
0x56: {  	_ =	shalt  }
0x57: {  	_ =	shalt  }
0x58: {  	_ =	shalt  }
0x59: {  	_ =	shalt  }
0x5a: {  	_ =	shalt  }
0x5b: {  	_ =	shalt  }
0x5c: {  	_ =	shalt  }
0x5d: {  	_ =	shalt  }
0x5e: {  	_ =	shalt  }
0x5f: {  	_ =	shalt  }
0x60: {  	_ =	shalt  }
0x61: {  	_ =	shalt  }
0x62: {  	_ =	shalt  }
0x63: {  	_ =	shalt  }
0x64: {  	_ =	shalt  }
0x65: {  	_ =	shalt  }
0x66: {  	_ =	shalt  }
0x67: {  	_ =	shalt  }
0x68: {  	_ =	shalt  }
0x69: {  	_ =	shalt  }
0x6a: {  	_ =	shalt  }
0x6b: {  	_ =	shalt  }
0x6c: {  	_ =	shalt  }
0x6d: {  	_ =	shalt  }
0x6e: {  	_ =	shalt  }
0x6f: {  	_ =	shalt  }
0x70: {  	_ =	shalt  }
0x71: {  	_ =	shalt  }
0x72: {  	_ =	shalt  }
0x73: {  	_ =	shalt  }
0x74: {  	_ =	shalt  }
0x75: {  	_ =	shalt  }
0x76: {  	_ =	shalt  }
0x77: {  	_ =	shalt  }
0x78: {  	_ =	shalt  }
0x79: {  	_ =	shalt  }
0x7a: {  	_ =	shalt  }
0x7b: {  	_ =	shalt  }
0x7c: {  	_ =	shalt  }
0x7d: {  	_ =	shalt  }
0x7e: {  	_ =	shalt  }
0x7f: {  	_ =	shalt  }
0x80: {  	_ =	shalt  }
0x81: {  	_ =	shalt  }
0x82: {  	_ =	shalt  }
0x83: {  	_ =	shalt  }
0x84: {  	_ =	shalt  }
0x85: {  	_ =	shalt  }
0x86: {  	_ =	shalt  }
0x87: {  	_ =	shalt  }
.Lfunc_end0:
.L_simem_size_0:
called_computation_lowered:
.L_overlay_start_0:
0x88: {  	s2 =	sld [smem:$0x3FD9]  }
0x89: {  	s3 =	sld [smem:$0x3FFE];
	_ =	sdelay $0x1  }
0x8a: {  	s1 =	srdreg.scid  }
0x8b: {  	s0 =	sand.u32 $0x1, s1  }
0x8c: {  	s17 =	sshll.u32 s0, $0xA;
	s2 =	sadd.s32 s3, s2  }
0x8d: {  	s2 =	sadd.s32 s2, s17  }
0x8e: {  	[smem:$0x3FC0] =	sst s2  }
0x8f: {  	_ = 	snop  }
0x90: {  	s2 =	sld [smem:$0x3FD0];
	(tm) =	ssettm $0x1  }
0x91: {  	s18 =	sld [smem:$0x3FFB];
	_ =	sdelay $0x3  }
0x92: {  	_ =	strace s18  }
0x93: {  	s3 =	sld [smem:$0x3FFC];
	_ =	sdelay $0x3  }
0x94: {  	_ =	strace s3  }
0x95: {  	s3 =	sld [smem:$0x3FFD];
	_ =	sdelay $0x3  }
0x96: {  	_ =	strace s3  }
0x97: {  	_ =	strace $0x8FFFFFFF  }
0x98: {  	s19 =	sld [smem:$0x3FDB];
	_ =	sdelay $0x1  }
0x99: {  	s4 =	simm.s32 $_scs_section_size  }
0x9a: {  	s5 =	simm.s32 $_size__tile_overlayer_lowered;
	s6 =	simm.s32 $_tile_overlayer_lowered  }
0x9b: {  	s22 =	simm.s32 $0x1BFF;
	s21 =	sshll.u32 s6, $0x1;
	s3 =	sadd.s32 s4, s19  }
0x9c: {  	s7 =	simm.s32 $0x0;
	s20 =	sshll.u32 s5, $0x1;
	s5 =	sadd.s32 s21, s3  }
0x9d: {  	[timem:s7], [sflag:s22] =	dma.local [hbm:s5], s20  }
0x9e: {  	_ =	swait.ge [sflag:s22], s20  }
0x9f: {  	s4 =	ssub.s32 $0x0, s20;
	[sflag:s22] =	ssyncset.done $0x0  }
0xa0: {  	[sflag:s22] =	ssyncadd.s32 s4;
	_ =	sdelay $0x1  }
0xa1: {  	s23 =	simm.s32 $0x1B8B  }
0xa2: {  	_ =	swait.ge [sflag:s23], $0x1  }
0xa3: {  	[sflag:s23] =	ssyncset.done $0x0  }
0xa4: {  	s25 =	simm.s32 $0x1B8E;
	s24 =	sld [smem:$0x3FFE];
	[sflag:s23] =	ssyncadd.s32 $0xFFFFFFFF  }
0xa5: {  	s26 =	simm.s32 $execute0_lowered;
	[smem:$0x3FD2] =	sst s25  }
0xa6: {  	s5 =	sshll.u32 s26, $0x1;
	_ =	strace $0x80000046;
	[dreg:$0x1] =	wrdreg $0xFFFFFFFF  }
0xa7: {  	s28 =	simm.s32 $_size_execute0_lowered;
	s3 =	sadd.s32 s3, s5;
	[dreg:$0x0] =	wrdreg $0x0  }
0xa8: {  	s5 =	sshll.u32 s28, $0x1;
	[dreg:$0x2] =	wrdreg s3  }
0xa9: {  	[dreg:$0x3] =	wrdreg s5  }
0xaa: {  	[dreg:$0x4] =	wrdreg $0xC0  }
0xab: {  	_ =	task [dreg:s7], $0x5FFFF  }
0xac: {  	[dreg:$0x1] =	wrdreg $0xFFFFFFFF  }
0xad: {  	[dreg:$0x0] =	wrdreg $0x60  }
0xae: {  	[dreg:$0x2] =	wrdreg s2  }
0xaf: {  	[dreg:$0x3] =	wrdreg s24  }
0xb0: {  	[dreg:$0x4] =	wrdreg $0x88000  }
0xb1: {  	[dreg:$0x5] =	wrdreg $0x1D0000  }
0xb2: {  	[dreg:$0x6] =	wrdreg $0x9  }
0xb3: {  	_ =	task.clear_ibuf [dreg:s7], $0x7FFFF;
	_ =	strace $0x90000046  }
0xb4: {  	s29 =	simm.s32 $0x9;
	_ =	strace $0x80000048  }
0xb5: {  	_ =	swait.ge [sflag:s29], $0x1  }
0xb6: {  	[sflag:s29] =	ssyncadd.s32 $0xFFFFFFFF  }
0xb7: {  	_ =	strace $0x90000048  }
0xb8: {  	_ =	sfence  }
0xb9: {  	s30 =	sld [smem:$0x0];
	_ =	sdelay $0x2  }
0xba: {  	s31 =	sshll.u32 s1, $0xD;
	s1 =	sshrl.u32 s1, $0x2  }
0xbb: {  	s3 =	sand.u32 $0x4000, s31;
	s1 =	sadd.s32 s1, s30  }
0xbc: {  	s0 =	sor.u32 s3, s0;
	s1 =	sshll.u32 s1, $0x11  }
0xbd: {  	s0 =	sor.u32 s1, s0  }
0xbe: {  	s0 =	sadd.s32 $0x8F2B, s0  }
0xbf: {  	[sflag:s0] =	ssyncadd.remote.s32 $0x1  }
0xc0: {  	_ =	sfence.sel $0xFFFF  }
0xc1: {  	[dreg:$0x0] =	wrdreg $0xFFFFFFFF;
	(pc) =	sbr.abs _section_cstart, $3  }
0xc2: {  	[dreg:$0x1] =	wrdreg $0xFFFFFFFF  }
0xc3: {  	_ =	task.clear_ibuf [dreg:s7], $0x2FFFF;
	_ =	strace $0x9FFFFFFF  }
0xc4: {  	(tm) =	ssettm $0x7FFFFFFF  }
0xc5: {  	_ =	shalt  }
tec
execute0_lowered:
.L_overlay_start_1:
0x0: {  	(tag) =	ssettag $0x1  }
0x1: {  	s1 =	rddreg [dreg:$0x0]  }
0x2: {  	s0 =	rddreg [dreg:$0x1]  }
0x3: {  	s2 =	rddreg [dreg:$0x2]  }
0x4: {  	s4 =	rddreg [dreg:$0x3];
	s3 =	simm.s32 $0x0  }
0x5: {  	s16 =	stileid.u32;
	s5 =	srdreg.scid;
	s17 =	simm.s32 $0x3  }
0x6: {  	s19 =	simm.s32 $0x1C800;
	s20 =	simm.s32 $0x400;
	s21 =	simm.s32 $0x80  }
0x7: {  	s22 =	simm.s32 $0x800;
	s23 =	simm.s32 $0x2800;
	s28 =	simm.s32 $0x780  }
0x8: {  	s29 =	simm.s32 $0x0;
	[smem:$0x7FF] =	sst s3;
	s24 =	smul.u32 $0x14000, s16  }
0x9: {  	s6 =	sadd.s32 $0xB600, s0;
	s8 =	smul.u32 $0x2800, s16;
	s5 =	sand.u32 $0x1, s5  }
0xa: {  	s7 =	sadd.s32 $0x1600, s0;
	s13 =	sadd.s32 $0x42600, s0;
	s10 =	smul.u32 $0x140000, s5  }
0xb: {  	s31 =	sshll.u32 s16, $0x6;
	_ =	strace $0x80000047;
	s12 =	smul.u32 $0x28000, s5  }
0xc: {  	[dreg:$0x5] =	wrdreg s13;
	s25 =	ssub.s32 $0x2, s5;
	s5 =	sshll.u32 s5, $0x4  }
0xd: {  	s9 =	sshrl.u32 s24, $0x3;
	s11 =	sshrl.u32 s8, $0x3;
	s30 =	sshrl.u32 s25, $0x1  }
0xe: {  	s3 =	sadd.s32 s24, s2;
	s5 =	sor.u32 s16, s5;
	s9 =	sadd.s32 s9, s0  }
0xf: {  	s11 =	sadd.s32 s11, s0;
	s10 =	sadd.s32 s24, s10;
	s12 =	sadd.s32 s8, s12  }
0x10: {  	s15 =	ssub.s32 s25, s30;
	s8 =	sadd.s32 s8, s4;
	s16 =	sshrl.u32 s3, $0x3  }
0x11: {  	s24 =	simm.s32 $0x1;
	s25 =	simm.s32 $0x4800;
	s10 =	sshrl.u32 s10, $0x3  }
0x12: {  	s26 =	sshrl.u32 s12, $0x3;
	s9 =	sadd.s32 $0x15600, s9;
	s11 =	sadd.s32 $0x3D600, s11  }
0x13: {  	s12 =	smul.u32 $0x2800, s5;
	s15 =	smax.u32 s15, $0x1;
	s18 =	sshrl.u32 s8, $0x3  }
0x14: {  	s14 =	sadd.s32 s10, s0;
	s0 =	sadd.s32 s26, s0;
	s10 =	sor.u32 $0x1C03, s31  }
0x15: {  	s26 =	simm.s32 $0x2;
	s13 =	sadd.s32 $0x4C800, s14;
	s14 =	sadd.s32 $0x42800, s0  }
.LBB2_1:
0x16: {  	[spmem:s16], [sflag:s10] =	dma.local [hbm:s9], $0x2800  }
0x17: {  	_ =	swait.ge [sflag:s17], $0x2800  }
0x18: {  	[sflag:s17] =	ssyncset.done $0x0  }
0x19: {  	[sflag:s17] =	ssyncadd.s32 $0xFFFFD800  }
0x1a: {  	[spmem:s18], [sflag:s10] =	dma.local [hbm:s11], $0x500  }
0x1b: {  	_ =	swait.ge [sflag:s17], $0x500  }
0x1c: {  	[sflag:s17] =	ssyncset.done $0x0  }
0x1d: {  	s0 =	simm.s32 $0x0;
	s3 =	rddreg [dreg:$0x5];
	[sflag:s17] =	ssyncadd.s32 $0xFFFFFB00  }
0x1e: {  	[tilespmem:s19], [sflag:$0x3] =	stream.linear.gather [hbm4b:s3+s0], $0x800, $0x38;
	[tilespmem:$0x1F800] =	vst v63  }
0x1f: {  	_ =	swait.ge [sflag:s17], $0x800  }
0x20: {  	[sflag:s17] =	ssyncset.done $0x0  }
0x21: {  	[sflag:s17] =	ssyncadd.s32 $0xFFFFF800  }
0x22: {  	s30 =	simm.s32 $0x0;
	[bflag:$0x0] =	sbarrier.arrive $0xFFFF  }
.LBB2_2:
0x23: {  	s0 =	sshll.u32 s30, $0xA  }
0x24: {  	s0 =	sadd.s32 s12, s0  }
0x25: {  	s0 =	sshrl.u32 s0, $0x3  }
0x26: {  	s31 =	simm.s32 $0x0;
	s3 =	sadd.s32 s6, s0  }
0x27: {  	[tilespmem:s31], [sflag:$0x3] =	stream.linear.gather [hbm4b:s3+s31], $0x400, $0x38;
	[tilespmem:$0x1F800] =	vst v63  }
0x28: {  	_ =	swait.ge [sflag:s17], $0x400  }
0x29: {  	[sflag:s17] =	ssyncset.done $0x0  }
0x2a: {  	s0 =	sadd.s32 s7, s0;
	[sflag:s17] =	ssyncadd.s32 $0xFFFFFC00  }
0x2b: {  	[tilespmem:s20], [sflag:$0x3] =	stream.linear.gather [hbm4b:s0+s31], $0x400, $0x38;
	[tilespmem:$0x1F800] =	vst v63  }
.Ltmp0:
0x2c: {  	_ = 	snop;
	(pc) =	sbr.rel .LBB2_3-.Ltmp0, $4  }
0x2d: {  	_ =	swait.ge [sflag:s17], $0x400  }
0x2e: {  	[sflag:s17] =	ssyncset.done $0x0  }
0x2f: {  	[sflag:s17] =	ssyncadd.s32 $0xFFFFFC00  }
0x30: {  	[tilespmem:s22], [sflag:$0x1] =	stream.indirect.gather [hbm4b:s1+s21], $0x40, s31, s21, $0xb8;
	[tilespmem:$0x1F800] =	vst v63  }
.LBB2_9:
0x31: {  	v1 =	vshll.u32 v0, $0x10;
	s3 =	sadd.s32 $0x80, s3  }
0x32: {  	v60 =	vand.u32 $0xFFFF0000, v0;
	[tilespmem:s3+$0xFFFFFFC0] =	vst v1  }
0x33: {  	[tilespmem:s3+$0x0] =	vst v60  }
0x34: {  	v0 =	vld [tilespmem:s5+$0x2810];
	_ =	sdelay $0x4  }
0x35: {  	v61 =	vshll.u32 v0, $0x10  }
0x36: {  	v0 =	vand.u32 $0xFFFF0000, v0;
	[tilespmem:s3+$0xFFFFFFD0] =	vst v61  }
0x37: {  	[tilespmem:s3+$0x10] =	vst v0  }
0x38: {  	v0 =	vld [tilespmem:s5+$0x2820];
	_ =	sdelay $0x4  }
0x39: {  	v62 =	vand.u32 $0xFFFF0000, v0  }
0x3a: {  	v0 =	vshll.u32 v0, $0x10;
	[tilespmem:s3+$0x20] =	vst v62  }
0x3b: {  	[tilespmem:s3+$0xFFFFFFE0] =	vst v0  }
0x3c: {  	v0 =	vld [tilespmem:s5+$0x2830];
	_ =	sdelay $0x4  }
0x3d: {  	v63 =	vshll.u32 v0, $0x10  }
0x3e: {  	v0 =	vand.u32 $0xFFFF0000, v0;
	[tilespmem:s3+$0xFFFFFFF0] =	vst v63  }
0x3f: {  	[tilespmem:s3+$0x30] =	vst v0  }
.LBB2_10:
0x40: {  	s0 =	sadd.s32 $0x400, s0  }
0x41: {  	[spmem:s2] =	stream.indirect.scatter.add.f32 [tilespmem:s25], [sflag:$0x3], $0x80, s0, s21, $0xb8;
	[tilespmem:$0x1F800] =	vst v63  }
0x42: {  	s31 =	sadd.s32 $0x1, s31;
	_ =	swait.ge [sflag:s17], $0x4000  }
0x43: {  	p0 =	sne.s32 s31, $0x7;
	[sflag:s17] =	ssyncset.done $0x0  }
.Ltmp1:
0x44: {  	[sflag:s17] =	ssyncadd.s32 $0xFFFFC000;
	(pc) =	sbr.rel @!p0 .LBB2_11-.Ltmp1, $4  }
0x45: {  	[spmem:s4] =	stream.indirect.scatter.add.f32 [tilespmem:s19], [sflag:$0x3], $0x10, s0, s21, $0xb8;
	[tilespmem:$0x1F800] =	vst v63  }
0x46: {  	_ =	swait.ge [sflag:s17], $0x800  }
0x47: {  	[sflag:s17] =	ssyncset.done $0x0  }
0x48: {  	[sflag:s17] =	ssyncadd.s32 $0xFFFFF800  }
.LBB2_3:
0x49: {  	s0 =	sand.u32 $0x1, s31  }
0x4a: {  	p0 =	seq.s32 s0, $0x1  }
.Ltmp2:
0x4b: {  	_ = 	snop;
	(pc) =	sbr.rel @p0 .LBB2_7-.Ltmp2, $4  }
0x4c: {  	_ = 	snop  }
0x4d: {  	s3 =	sshll.u32 s31, $0x9  }
0x4e: {  	s0 =	sshrl.u32 s3, $0x2  }
0x4f: {  	s3 =	sadd.s32 $0x80, s0  }
0x50: {  	[tilespmem:s23], [sflag:$0x2] =	stream.indirect.gather [hbm4b:s1+s21], $0x40, s3, s21, $0xb8;
	[tilespmem:$0x1F800] =	vst v63  }
0x51: {  	_ =	swait.ge [sflag:s24], $0x2000  }
0x52: {  	[sflag:s24] =	ssyncset.done $0x0  }
0x53: {  	s5 =	simm.s32 $0x0;
	[sflag:s24] =	ssyncadd.s32 $0xFFFFE000  }
0x54: {  	v0 =	vld [tilespmem:s5+$0x800];
	_ =	sdelay $0x4  }
0x55: {  	s3 =	simm.s32 $0x4840;
	v1 =	vshll.u32 v0, $0x10  }
0x56: {  	v0 =	vand.u32 $0xFFFF0000, v0;
	[tilespmem:s3+$0xFFFFFFC0] =	vst v1  }
0x57: {  	[tilespmem:s3+$0x0] =	vst v0  }
0x58: {  	v0 =	vld [tilespmem:s5+$0x810];
	_ =	sdelay $0x4  }
0x59: {  	v1 =	vshll.u32 v0, $0x10  }
0x5a: {  	v0 =	vand.u32 $0xFFFF0000, v0;
	[tilespmem:s3+$0xFFFFFFD0] =	vst v1  }
0x5b: {  	[tilespmem:s3+$0x10] =	vst v0  }
0x5c: {  	v0 =	vld [tilespmem:s5+$0x820];
	_ =	sdelay $0x4  }
0x5d: {  	v1 =	vand.u32 $0xFFFF0000, v0  }
0x5e: {  	v0 =	vshll.u32 v0, $0x10;
	[tilespmem:s3+$0x20] =	vst v1  }
0x5f: {  	[tilespmem:s3+$0xFFFFFFE0] =	vst v0  }
0x60: {  	v0 =	vld [tilespmem:s5+$0x830];
	_ =	sdelay $0x4  }
0x61: {  	v1 =	vshll.u32 v0, $0x10  }
0x62: {  	v0 =	vand.u32 $0xFFFF0000, v0;
	[tilespmem:s3+$0xFFFFFFF0] =	vst v1  }
0x63: {  	s5 =	simm.s32 $0x40;
	[tilespmem:s3+$0x30] =	vst v0  }
0x64: {  	v0 =	vld [tilespmem:s5+$0x800]  }
0x65: {  	s8 =	simm.s32 $0x200  }
.LBB2_5:
0x66: {  	p0 =	seq.s32 s8, $0x7F00;
	_ =	sdelay $0x2  }
0x67: {  	s3 =	sadd.s32 $0x80, s3;
	v1 =	vshll.u32 v0, $0x10  }
0x68: {  	v0 =	vand.u32 $0xFFFF0000, v0;
	[tilespmem:s3+$0xFFFFFFC0] =	vst v1  }
0x69: {  	[tilespmem:s3+$0x0] =	vst v0  }
0x6a: {  	v0 =	vld [tilespmem:s5+$0x810];
	_ =	sdelay $0x4  }
0x6b: {  	v1 =	vshll.u32 v0, $0x10  }
0x6c: {  	v0 =	vand.u32 $0xFFFF0000, v0;
	[tilespmem:s3+$0xFFFFFFD0] =	vst v1  }
0x6d: {  	[tilespmem:s3+$0x10] =	vst v0  }
0x6e: {  	v0 =	vld [tilespmem:s5+$0x820];
	_ =	sdelay $0x4  }
0x6f: {  	v1 =	vshll.u32 v0, $0x10;
	v0 =	vand.u32 $0xFFFF0000, v0  }
0x70: {  	[tilespmem:s3+$0x20] =	vst v0  }
0x71: {  	[tilespmem:s3+$0xFFFFFFE0] =	vst v1  }
0x72: {  	v0 =	vld [tilespmem:s5+$0x830];
	_ =	sdelay $0x4  }
.Ltmp3:
0x73: {  	v1 =	vshll.u32 v0, $0x10;
	v0 =	vand.u32 $0xFFFF0000, v0;
	(pc) =	sbr.rel @!p0 .LBB2_5-.Ltmp3, $4  }
0x74: {  	[tilespmem:s3+$0xFFFFFFF0] =	vst v1  }
0x75: {  	s5 =	sshra.s32 s8, $0x2;
	[tilespmem:s3+$0x30] =	vst v0  }
0x76: {  	v0 =	vld [tilespmem:s5+$0x800]  }
0x77: {  	s8 =	sadd.s32 $0x100, s8  }
0x78: {  	_ =	sdelay $0x2  }
0x79: {  	s3 =	sadd.s32 $0x80, s3;
	v1 =	vshll.u32 v0, $0x10  }
0x7a: {  	v60 =	vand.u32 $0xFFFF0000, v0;
	[tilespmem:s3+$0xFFFFFFC0] =	vst v1  }
0x7b: {  	[tilespmem:s3+$0x0] =	vst v60  }
0x7c: {  	v0 =	vld [tilespmem:s5+$0x810];
	_ =	sdelay $0x4  }
0x7d: {  	v61 =	vshll.u32 v0, $0x10  }
0x7e: {  	v0 =	vand.u32 $0xFFFF0000, v0;
	[tilespmem:s3+$0xFFFFFFD0] =	vst v61  }
0x7f: {  	[tilespmem:s3+$0x10] =	vst v0  }
0x80: {  	v0 =	vld [tilespmem:s5+$0x820];
	_ =	sdelay $0x4  }
0x81: {  	v62 =	vand.u32 $0xFFFF0000, v0  }
0x82: {  	v0 =	vshll.u32 v0, $0x10;
	[tilespmem:s3+$0x20] =	vst v62  }
0x83: {  	[tilespmem:s3+$0xFFFFFFE0] =	vst v0  }
0x84: {  	v0 =	vld [tilespmem:s5+$0x830];
	_ =	sdelay $0x2  }
.Ltmp4:
0x85: {  	_ = 	snop;
	(pc) =	sbr.rel .LBB2_10-.Ltmp4, $4  }
0x86: {  	_ = 	snop  }
0x87: {  	v63 =	vshll.u32 v0, $0x10  }
0x88: {  	v0 =	vand.u32 $0xFFFF0000, v0;
	[tilespmem:s3+$0xFFFFFFF0] =	vst v63  }
0x89: {  	[tilespmem:s3+$0x30] =	vst v0  }
.LBB2_7:
0x8a: {  	[tilespmem:s22], [sflag:$0x1] =	stream.indirect.gather [hbm4b:s1+s21], $0x40, s3, s21, $0xb8;
	[tilespmem:$0x1F800] =	vst v63  }
0x8b: {  	_ =	swait.ge [sflag:s26], $0x2000  }
0x8c: {  	[sflag:s26] =	ssyncset.done $0x0  }
0x8d: {  	s5 =	simm.s32 $0x0;
	[sflag:s26] =	ssyncadd.s32 $0xFFFFE000  }
0x8e: {  	v0 =	vld [tilespmem:s5+$0x2800];
	_ =	sdelay $0x4  }
0x8f: {  	s3 =	simm.s32 $0x4840;
	v1 =	vshll.u32 v0, $0x10  }
0x90: {  	v0 =	vand.u32 $0xFFFF0000, v0;
	[tilespmem:s3+$0xFFFFFFC0] =	vst v1  }
0x91: {  	[tilespmem:s3+$0x0] =	vst v0  }
0x92: {  	v0 =	vld [tilespmem:s5+$0x2810];
	_ =	sdelay $0x4  }
0x93: {  	v1 =	vshll.u32 v0, $0x10  }
0x94: {  	v0 =	vand.u32 $0xFFFF0000, v0;
	[tilespmem:s3+$0xFFFFFFD0] =	vst v1  }
0x95: {  	[tilespmem:s3+$0x10] =	vst v0  }
0x96: {  	v0 =	vld [tilespmem:s5+$0x2820];
	_ =	sdelay $0x4  }
0x97: {  	v1 =	vand.u32 $0xFFFF0000, v0  }
0x98: {  	v0 =	vshll.u32 v0, $0x10;
	[tilespmem:s3+$0x20] =	vst v1  }
0x99: {  	[tilespmem:s3+$0xFFFFFFE0] =	vst v0  }
0x9a: {  	v0 =	vld [tilespmem:s5+$0x2830];
	_ =	sdelay $0x4  }
0x9b: {  	v1 =	vshll.u32 v0, $0x10  }
0x9c: {  	v0 =	vand.u32 $0xFFFF0000, v0;
	[tilespmem:s3+$0xFFFFFFF0] =	vst v1  }
0x9d: {  	s5 =	simm.s32 $0x40;
	[tilespmem:s3+$0x30] =	vst v0  }
0x9e: {  	v0 =	vld [tilespmem:s5+$0x2800]  }
0x9f: {  	s8 =	simm.s32 $0x200  }
.LBB2_8:
0xa0: {  	p0 =	sne.s32 s8, $0x7F00;
	_ =	sdelay $0x2  }
0xa1: {  	v1 =	vshll.u32 v0, $0x10;
	s3 =	sadd.s32 $0x80, s3  }
0xa2: {  	v0 =	vand.u32 $0xFFFF0000, v0;
	[tilespmem:s3+$0xFFFFFFC0] =	vst v1  }
0xa3: {  	[tilespmem:s3+$0x0] =	vst v0  }
0xa4: {  	v0 =	vld [tilespmem:s5+$0x2810];
	_ =	sdelay $0x4  }
0xa5: {  	v1 =	vshll.u32 v0, $0x10  }
0xa6: {  	v0 =	vand.u32 $0xFFFF0000, v0;
	[tilespmem:s3+$0xFFFFFFD0] =	vst v1  }
0xa7: {  	[tilespmem:s3+$0x10] =	vst v0  }
0xa8: {  	v0 =	vld [tilespmem:s5+$0x2820];
	_ =	sdelay $0x4  }
0xa9: {  	v1 =	vshll.u32 v0, $0x10;
	v0 =	vand.u32 $0xFFFF0000, v0  }
0xaa: {  	[tilespmem:s3+$0x20] =	vst v0  }
0xab: {  	[tilespmem:s3+$0xFFFFFFE0] =	vst v1  }
0xac: {  	v0 =	vld [tilespmem:s5+$0x2830];
	_ =	sdelay $0x4  }
.Ltmp5:
0xad: {  	v1 =	vshll.u32 v0, $0x10;
	v0 =	vand.u32 $0xFFFF0000, v0;
	(pc) =	sbr.rel @p0 .LBB2_8-.Ltmp5, $4  }
0xae: {  	[tilespmem:s3+$0xFFFFFFF0] =	vst v1  }
0xaf: {  	s5 =	sshra.s32 s8, $0x2;
	[tilespmem:s3+$0x30] =	vst v0  }
0xb0: {  	v0 =	vld [tilespmem:s5+$0x2800]  }
0xb1: {  	s8 =	sadd.s32 $0x100, s8  }
.Ltmp6:
0xb2: {  	_ = 	snop;
	(pc) =	sbr.rel .LBB2_9-.Ltmp6, $1  }
0xb3: {  	_ =	sdelay $0x3  }
.LBB2_11:
0xb4: {  	_ =	swait.ge [sflag:s26], $0x2000  }
0xb5: {  	[sflag:s26] =	ssyncset.done $0x0  }
0xb6: {  	s3 =	simm.s32 $0x0;
	[sflag:s26] =	ssyncadd.s32 $0xFFFFE000  }
0xb7: {  	v0 =	vld [tilespmem:s3+$0x2800];
	_ =	sdelay $0x4  }
0xb8: {  	s0 =	simm.s32 $0x4840;
	v1 =	vshll.u32 v0, $0x10  }
0xb9: {  	v0 =	vand.u32 $0xFFFF0000, v0;
	[tilespmem:s0+$0xFFFFFFC0] =	vst v1  }
0xba: {  	[tilespmem:s0+$0x0] =	vst v0  }
0xbb: {  	v0 =	vld [tilespmem:s3+$0x2810];
	_ =	sdelay $0x4  }
0xbc: {  	v1 =	vshll.u32 v0, $0x10  }
0xbd: {  	v0 =	vand.u32 $0xFFFF0000, v0;
	[tilespmem:s0+$0xFFFFFFD0] =	vst v1  }
0xbe: {  	[tilespmem:s0+$0x10] =	vst v0  }
0xbf: {  	v0 =	vld [tilespmem:s3+$0x2820];
	_ =	sdelay $0x4  }
0xc0: {  	v1 =	vand.u32 $0xFFFF0000, v0  }
0xc1: {  	v0 =	vshll.u32 v0, $0x10;
	[tilespmem:s0+$0x20] =	vst v1  }
0xc2: {  	[tilespmem:s0+$0xFFFFFFE0] =	vst v0  }
0xc3: {  	v0 =	vld [tilespmem:s3+$0x2830];
	_ =	sdelay $0x4  }
0xc4: {  	v1 =	vshll.u32 v0, $0x10  }
0xc5: {  	v0 =	vand.u32 $0xFFFF0000, v0;
	[tilespmem:s0+$0xFFFFFFF0] =	vst v1  }
0xc6: {  	s3 =	simm.s32 $0x40;
	[tilespmem:s0+$0x30] =	vst v0  }
0xc7: {  	v0 =	vld [tilespmem:s3+$0x2800]  }
0xc8: {  	s5 =	simm.s32 $0x200  }
.LBB2_12:
0xc9: {  	p0 =	sne.s32 s5, $0x7F00;
	_ =	sdelay $0x2  }
0xca: {  	s0 =	sadd.s32 $0x80, s0;
	v1 =	vshll.u32 v0, $0x10  }
0xcb: {  	v0 =	vand.u32 $0xFFFF0000, v0;
	[tilespmem:s0+$0xFFFFFFC0] =	vst v1  }
0xcc: {  	[tilespmem:s0+$0x0] =	vst v0  }
0xcd: {  	v0 =	vld [tilespmem:s3+$0x2810];
	_ =	sdelay $0x4  }
0xce: {  	v1 =	vshll.u32 v0, $0x10  }
0xcf: {  	v0 =	vand.u32 $0xFFFF0000, v0;
	[tilespmem:s0+$0xFFFFFFD0] =	vst v1  }
0xd0: {  	[tilespmem:s0+$0x10] =	vst v0  }
0xd1: {  	v0 =	vld [tilespmem:s3+$0x2820];
	_ =	sdelay $0x4  }
0xd2: {  	v1 =	vshll.u32 v0, $0x10;
	v0 =	vand.u32 $0xFFFF0000, v0  }
0xd3: {  	[tilespmem:s0+$0x20] =	vst v0  }
0xd4: {  	[tilespmem:s0+$0xFFFFFFE0] =	vst v1  }
0xd5: {  	v0 =	vld [tilespmem:s3+$0x2830];
	_ =	sdelay $0x4  }
.Ltmp7:
0xd6: {  	v1 =	vshll.u32 v0, $0x10;
	v0 =	vand.u32 $0xFFFF0000, v0;
	(pc) =	sbr.rel @p0 .LBB2_12-.Ltmp7, $4  }
0xd7: {  	[tilespmem:s0+$0xFFFFFFF0] =	vst v1  }
0xd8: {  	s3 =	sshra.s32 s5, $0x2;
	[tilespmem:s0+$0x30] =	vst v0  }
0xd9: {  	v0 =	vld [tilespmem:s3+$0x2800]  }
0xda: {  	s5 =	sadd.s32 $0x100, s5  }
0xdb: {  	_ =	sdelay $0x2  }
0xdc: {  	s0 =	sadd.s32 $0x80, s0;
	v1 =	vshll.u32 v0, $0x10  }
0xdd: {  	v60 =	vand.u32 $0xFFFF0000, v0;
	[tilespmem:s0+$0xFFFFFFC0] =	vst v1  }
0xde: {  	[tilespmem:s0+$0x0] =	vst v60  }
0xdf: {  	v0 =	vld [tilespmem:s3+$0x2810];
	_ =	sdelay $0x4  }
0xe0: {  	v61 =	vshll.u32 v0, $0x10  }
0xe1: {  	v0 =	vand.u32 $0xFFFF0000, v0;
	[tilespmem:s0+$0xFFFFFFD0] =	vst v61  }
0xe2: {  	[tilespmem:s0+$0x10] =	vst v0  }
0xe3: {  	v0 =	vld [tilespmem:s3+$0x2820];
	_ =	sdelay $0x4  }
0xe4: {  	v62 =	vand.u32 $0xFFFF0000, v0  }
0xe5: {  	v0 =	vshll.u32 v0, $0x10;
	[tilespmem:s0+$0x20] =	vst v62  }
0xe6: {  	[tilespmem:s0+$0xFFFFFFE0] =	vst v0  }
0xe7: {  	v0 =	vld [tilespmem:s3+$0x2830];
	_ =	sdelay $0x4  }
0xe8: {  	v63 =	vshll.u32 v0, $0x10  }
0xe9: {  	v0 =	vand.u32 $0xFFFF0000, v0;
	[tilespmem:s0+$0xFFFFFFF0] =	vst v63  }
0xea: {  	[tilespmem:s0+$0x30] =	vst v0  }
0xeb: {  	[spmem:s2] =	stream.indirect.scatter.add.f32 [tilespmem:s25], [sflag:$0x3], $0x80, s28, s21, $0xb8;
	[tilespmem:$0x1F800] =	vst v63  }
0xec: {  	s30 =	sadd.s32 $0x1, s30;
	_ =	swait.ge [sflag:s17], $0x4000  }
0xed: {  	p0 =	sne.s32 s30, $0xA;
	[sflag:s17] =	ssyncset.done $0x0  }
.Ltmp8:
0xee: {  	[sflag:s17] =	ssyncadd.s32 $0xFFFFC000;
	(pc) =	sbr.rel @p0 .LBB2_2-.Ltmp8, $4  }
0xef: {  	[spmem:s4] =	stream.indirect.scatter.add.f32 [tilespmem:s19], [sflag:$0x3], $0x10, s28, s21, $0xb8;
	[tilespmem:$0x1F800] =	vst v63  }
0xf0: {  	_ =	swait.ge [sflag:s17], $0x800  }
0xf1: {  	[sflag:s17] =	ssyncset.done $0x0  }
0xf2: {  	[sflag:s17] =	ssyncadd.s32 $0xFFFFF800  }
0xf3: {  	[bflag:$0x0] =	sbarrier.arrive $0xFFFF  }
0xf4: {  	[hbm:s13], [sflag:s10] =	dma.local [spmem:s16], $0x2800  }
0xf5: {  	s29 =	sadd.s32 $0x1, s29;
	_ =	swait.ge [sflag:s17], $0x2800  }
0xf6: {  	p0 =	sne.s32 s29, s15;
	[sflag:s17] =	ssyncset.done $0x0  }
.Ltmp9:
0xf7: {  	[sflag:s17] =	ssyncadd.s32 $0xFFFFD800;
	(pc) =	sbr.rel @p0 .LBB2_1-.Ltmp9, $4  }
0xf8: {  	[hbm:s14], [sflag:s10] =	dma.local [spmem:s18], $0x500  }
0xf9: {  	_ =	swait.ge [sflag:s17], $0x500  }
0xfa: {  	[sflag:s17] =	ssyncset.done $0x0  }
0xfb: {  	[sflag:s17] =	ssyncadd.s32 $0xFFFFFB00  }
0xfc: {  	_ =	sfence.sel $0x180000  }
0xfd: {  	[bflag:$0x0] =	sbarrier.arrive $0xFFFF  }
0xfe: {  	_ =	strace $0x90000047  }
0xff: {  	s0 =	stileid.u32;
	[bflag:$0x2] =	sbarrier.arrive $0xFFFF  }
0x100: {  	p0 =	sne.s32 s0, $0x0;
	s0 =	rddreg [dreg:$0x4]  }
0x101: {  	s0 =	sadd.s32 @!p0 $0x100000, s0  }
0x102: {  	[sflag:s0] =	ssyncadd.tile.s32 @!p0 $0x1;
	_ =	shalt  }
.Lfunc_end2:
_tile_overlayer_lowered:
.L_overlay_start_2:
0x103: {  	(tag) =	ssettag $0x2  }
0x104: {  	s0 =	rddreg [dreg:$0x0];
	s2 =	stileid.u32  }
0x105: {  	s1 =	rddreg [dreg:$0x1];
	p0 =	sne.s32 s2, $0x0  }
0x106: {  	s3 =	rddreg [dreg:$0x2];
	[bflag:$0x3] =	sbarrier.arrive $0xFFFF;
	s2 =	simm.s32 @!p0 $0x1C03  }
0x107: {  	[timem:s3], [sflag:s2] =	dma.local @!p0 [hbm:s0], s1  }
0x108: {  	s0 =	simm.s32 @!p0 $0x3  }
0x109: {  	_ =	swait.ge @!p0 [sflag:s0], s1  }
0x10a: {  	s1 =	ssub.s32 @!p0 $0x0, s1;
	[sflag:s0] =	ssyncset.done @!p0 $0x0  }
0x10b: {  	[sflag:s0] =	ssyncadd.s32 @!p0 s1  }
0x10c: {  	[bflag:$0x3] =	sbarrier.arrive $0xFFFF  }
0x10d: {  	_ =	shalt  }

</sc_bundles>
